<compile_context>
chip_gen: v7x
topology: tpu7x:2x2x1
jax: 0.10.2.dev20260603
libtpu: 0.0.44.dev20260713+nightly
codegen_flags: <defaults>
</compile_context>

<pallas_src>
import functools

import jax
import jax.numpy as jnp
from jax import lax
from jax.experimental import pallas as pl
from jax.experimental.pallas import tpu as pltpu
from jax.experimental.pallas import tpu_sc as plsc

B, T, D = 4096, 200, 64
R = B * T
NC, NS = 2, 16
NW = NC * NS
ROWS_PER_W = R // NW
C = 400
NCHUNK = ROWS_PER_W // C
NSTEP = NCHUNK // 2
SUB = 80
LANES = 16


def _make_kernel():
  mesh = plsc.VectorSubcoreMesh(
      core_axis_name="c", subcore_axis_name="s",
      num_cores=NC, num_subcores=NS)

  @functools.partial(
      pl.kernel,
      out_type=jax.ShapeDtypeStruct((R, D), jnp.float32),
      mesh=mesh,
      scratch_types=[
          pltpu.VMEM((T, D), jnp.float32),
          pltpu.VMEM((ROWS_PER_W,), jnp.int32),
          pltpu.VMEM((C, D), jnp.float32),
          pltpu.VMEM((C, D), jnp.float32),
          pltpu.SemaphoreType.DMA,
          pltpu.SemaphoreType.DMA,
          pltpu.SemaphoreType.DMA,
          pltpu.SemaphoreType.DMA,
      ],
      compiler_params=pltpu.CompilerParams(use_tc_tiling_on_sc=False),
  )
  def k(x_hbm, emb_hbm, pos_hbm, out_hbm, pos_v, idx_v,
        rows0, rows1, sem_g0, sem_g1, sem_s0, sem_s1):
    wid = lax.axis_index("s") * NC + lax.axis_index("c")
    w_base = wid * ROWS_PER_W
    rows = (rows0, rows1)
    sem_g = (sem_g0, sem_g1)
    sem_s = (sem_s0, sem_s1)

    pltpu.sync_copy(pos_hbm, pos_v)
    pltpu.sync_copy(x_hbm.at[pl.ds(w_base, ROWS_PER_W)], idx_v)

    def issue_gather(ci, slot):
      for j in range(C // SUB):
        pltpu.async_copy(
            emb_hbm.at[idx_v.at[pl.ds(ci * C + j * SUB, SUB)]],
            rows[slot].at[pl.ds(j * SUB, SUB)],
            sem_g[slot])

    def wait_gather(slot):
      pltpu.make_async_copy(
          emb_hbm.at[idx_v.at[pl.ds(0, C)]], rows[slot], sem_g[slot]).wait()

    def issue_store(ci, slot):
      pltpu.async_copy(
          rows[slot], out_hbm.at[pl.ds(w_base + ci * C, C)], sem_s[slot])

    def wait_store(slot):
      pltpu.make_async_copy(
          rows[slot], out_hbm.at[pl.ds(w_base, C)], sem_s[slot]).wait()

    def add_pos(slot):
      def t_body(t, c2):
        for d in range(D // LANES):
          sl = pl.ds(d * LANES, LANES)
          pv = pos_v[t, sl]
          for s in range(C // T):
            r = s * T + t
            rows[slot][r, sl] = rows[slot][r, sl] + pv
        return c2
      lax.fori_loop(0, T, t_body, 0)

    issue_gather(0, 0)

    def step(i, carry):
      c0 = 2 * i
      wait_gather(0)

      @pl.when(i > 0)
      def _():
        wait_store(1)
      issue_gather(c0 + 1, 1)
      add_pos(0)
      issue_store(c0, 0)

      wait_gather(1)

      @pl.when(i < NSTEP - 1)
      def _():
        wait_store(0)
        issue_gather(c0 + 2, 0)
      add_pos(1)
      issue_store(c0 + 1, 1)
      return carry

    lax.fori_loop(0, NSTEP, step, 0)
    wait_store(0)
    wait_store(1)

  return k


_kernel = _make_kernel()


@jax.jit
def kernel(x, emb_table, pos_table):
  out = _kernel(x.reshape(R), emb_table, pos_table)
  return out.reshape(B, T, D)

# --- scband reference (transcript-rebuilt; emitter-appended) ---
"""Pipeline reference for scband-token-embedding-62036507623607 (READ-ONLY COPY).

The authoritative reference and input builder live on the scoring server;
editing this copy changes nothing except your own understanding.
"""

import jax, jax.numpy as jnp
import numpy as np

NUM_VOCAB = 1000000
NUM_HID = 64
MAXLEN = 200
BATCH = 4096

def setup_inputs(seed: int = 0) -> dict:
    key = jax.random.key(seed)
    k1, k2, k3 = jax.random.split(key, 3)
    x = jax.random.randint(k1, (BATCH, MAXLEN), 0, NUM_VOCAB, dtype=jnp.int32)
    emb_table = jax.random.normal(k2, (NUM_VOCAB, NUM_HID), dtype=jnp.float32) * 0.02
    pos_table = jax.random.normal(k3, (MAXLEN, NUM_HID), dtype=jnp.float32) * 0.02
    return {"x": x, "emb_table": emb_table, "pos_table": pos_table}

def reference(x, emb_table, pos_table):
    # emb = self.emb(x)
    emb = jnp.take(emb_table, x, axis=0)            # [B, MAXLEN, NUM_HID]
    # pos = arange(0, maxlen); pos_emb = self.pos_emb(pos)
    pos = jnp.arange(0, MAXLEN, 1)
    pos_emb = jnp.take(pos_table, pos, axis=0)      # [MAXLEN, NUM_HID]
    out = emb + pos_emb                              # broadcast over batch
    return out

if __name__ == "__main__":
    import jax
    _d = setup_inputs()
    print(jax.jit(kernel)(*tuple(_d.values())))

</pallas_src>

<mosaic_0001>
#map = affine_map<(d0, d1) -> (0)>
#map1 = affine_map<(d0, d1) -> (0, 0)>
module attributes {stable_mosaic.version = 14 : i64} {
  func.func @k(%arg0: i32, %arg1: i32, %arg2: memref<819200xi32, #tpu.memory_space<hbm>>, %arg3: memref<1000000x64xf32, #tpu.memory_space<hbm>>, %arg4: memref<200x64xf32, #tpu.memory_space<hbm>>, %arg5: memref<819200x64xf32, #tpu.memory_space<hbm>>, %arg6: memref<200x64xf32, #tpu.memory_space<vmem>>, %arg7: memref<25600xi32, #tpu.memory_space<vmem>>, %arg8: memref<400x64xf32, #tpu.memory_space<vmem>>, %arg9: memref<400x64xf32, #tpu.memory_space<vmem>>, %arg10: memref<!tpu.dma_semaphore, #tpu.memory_space<semaphore_mem>>, %arg11: memref<!tpu.dma_semaphore, #tpu.memory_space<semaphore_mem>>, %arg12: memref<!tpu.dma_semaphore, #tpu.memory_space<semaphore_mem>>, %arg13: memref<!tpu.dma_semaphore, #tpu.memory_space<semaphore_mem>>) attributes {dimension_semantics = [#tpu.dimension_semantics<core_parallel>, #tpu.dimension_semantics<subcore_parallel>], iteration_bounds = array<i64: 2, 16>, scalar_prefetch = 0 : i64, scratch_operands = 8 : i64, tpu.core_type = #tpu.core_type<sc_vector_subcore>, window_params = [{transform_indices = #map}, {transform_indices = #map1}, {transform_indices = #map1}, {transform_indices = #map1}]} {
    %mul3A = arith.constant 2 : i32
    %mul3A_0 = arith.muli %arg1, %mul3A : i32
    %add3A = arith.addi %mul3A_0, %arg0 : i32
    %mul3A_1 = arith.constant 25600 : i32
    %mul3A_2 = arith.muli %add3A, %mul3A_1 : i32
    "tpu.region"() ({
      %run_scoped3A = tpu.sem_alloc : memref<!tpu.dma_semaphore, #tpu.memory_space<semaphore_mem>>
      tpu.enqueue_dma source(%arg4 : memref<200x64xf32, #tpu.memory_space<hbm>>) target(%arg6 : memref<200x64xf32, #tpu.memory_space<vmem>>) target_semaphore(%run_scoped3A : memref<!tpu.dma_semaphore, #tpu.memory_space<semaphore_mem>>)
      tpu.wait_dma2 semaphore(%run_scoped3A : memref<!tpu.dma_semaphore, #tpu.memory_space<semaphore_mem>>) src(%arg4 : memref<200x64xf32, #tpu.memory_space<hbm>>) dst(%arg6 : memref<200x64xf32, #tpu.memory_space<vmem>>)
      tpu.yield
    }) : () -> ()
    "tpu.region"() ({
      %run_scoped3A = tpu.sem_alloc : memref<!tpu.dma_semaphore, #tpu.memory_space<semaphore_mem>>
      %dma_start3A_54 = tpu.memref_slice %arg2[%mul3A_2] : memref<819200xi32, #tpu.memory_space<hbm>> -> memref<25600xi32, #tpu.memory_space<hbm>>
      %dma_start3A_55 = tpu.memref_slice %arg2[%mul3A_2] : memref<819200xi32, #tpu.memory_space<hbm>> -> memref<25600xi32, #tpu.memory_space<hbm>>
      tpu.enqueue_dma source(%dma_start3A_55 : memref<25600xi32, #tpu.memory_space<hbm>>) target(%arg7 : memref<25600xi32, #tpu.memory_space<vmem>>) target_semaphore(%run_scoped3A : memref<!tpu.dma_semaphore, #tpu.memory_space<semaphore_mem>>)
      %dma_wait3A_56 = tpu.memref_slice %arg2[%mul3A_2] : memref<819200xi32, #tpu.memory_space<hbm>> -> memref<25600xi32, #tpu.memory_space<hbm>>
      %dma_wait3A_57 = tpu.memref_slice %arg2[%mul3A_2] : memref<819200xi32, #tpu.memory_space<hbm>> -> memref<25600xi32, #tpu.memory_space<hbm>>
      tpu.wait_dma2 semaphore(%run_scoped3A : memref<!tpu.dma_semaphore, #tpu.memory_space<semaphore_mem>>) src(%dma_wait3A_57 : memref<25600xi32, #tpu.memory_space<hbm>>) dst(%arg7 : memref<25600xi32, #tpu.memory_space<vmem>>)
      tpu.yield
    }) : () -> ()
    %dma_start3A = arith.constant 0 : i32
    %dma_start3A_3 = arith.constant 0 : i32
    %dma_start3A_4 = tpu.memref_slice %arg8[%dma_start3A, %dma_start3A_3] : memref<400x64xf32, #tpu.memory_space<vmem>> -> memref<80x64xf32, #tpu.memory_space<vmem>>
    %dma_start3A_5 = arith.constant 0 : i32
    %dma_start3A_6 = tpu.memref_slice %arg7[%dma_start3A_5] : memref<25600xi32, #tpu.memory_space<vmem>> -> memref<80xi32, #tpu.memory_space<vmem>>
    %dma_start3A_7 = arith.constant 0 : i32
    %dma_start3A_8 = arith.constant 0 : i32
    %dma_start3A_9 = tpu.memref_slice %arg3[%dma_start3A_7, %dma_start3A_8] : memref<1000000x64xf32, #tpu.memory_space<hbm>> -> memref<1000000x64xf32, #tpu.memory_space<hbm>>
    tpu.enqueue_indirect_dma source(%dma_start3A_9 : memref<1000000x64xf32, #tpu.memory_space<hbm>>) target(%dma_start3A_4 : memref<80x64xf32, #tpu.memory_space<vmem>>) offsets(%dma_start3A_6 : memref<80xi32, #tpu.memory_space<vmem>>) semaphore(%arg10 : memref<!tpu.dma_semaphore, #tpu.memory_space<semaphore_mem>>)
    %dma_start3A_10 = arith.constant 80 : i32
    %dma_start3A_11 = arith.constant 0 : i32
    %dma_start3A_12 = tpu.memref_slice %arg8[%dma_start3A_10, %dma_start3A_11] : memref<400x64xf32, #tpu.memory_space<vmem>> -> memref<80x64xf32, #tpu.memory_space<vmem>>
    %dma_start3A_13 = arith.constant 80 : i32
    %dma_start3A_14 = tpu.memref_slice %arg7[%dma_start3A_13] : memref<25600xi32, #tpu.memory_space<vmem>> -> memref<80xi32, #tpu.memory_space<vmem>>
    %dma_start3A_15 = arith.constant 0 : i32
    %dma_start3A_16 = arith.constant 0 : i32
    %dma_start3A_17 = tpu.memref_slice %arg3[%dma_start3A_15, %dma_start3A_16] : memref<1000000x64xf32, #tpu.memory_space<hbm>> -> memref<1000000x64xf32, #tpu.memory_space<hbm>>
    tpu.enqueue_indirect_dma source(%dma_start3A_17 : memref<1000000x64xf32, #tpu.memory_space<hbm>>) target(%dma_start3A_12 : memref<80x64xf32, #tpu.memory_space<vmem>>) offsets(%dma_start3A_14 : memref<80xi32, #tpu.memory_space<vmem>>) semaphore(%arg10 : memref<!tpu.dma_semaphore, #tpu.memory_space<semaphore_mem>>)
    %dma_start3A_18 = arith.constant 160 : i32
    %dma_start3A_19 = arith.constant 0 : i32
    %dma_start3A_20 = tpu.memref_slice %arg8[%dma_start3A_18, %dma_start3A_19] : memref<400x64xf32, #tpu.memory_space<vmem>> -> memref<80x64xf32, #tpu.memory_space<vmem>>
    %dma_start3A_21 = arith.constant 160 : i32
    %dma_start3A_22 = tpu.memref_slice %arg7[%dma_start3A_21] : memref<25600xi32, #tpu.memory_space<vmem>> -> memref<80xi32, #tpu.memory_space<vmem>>
    %dma_start3A_23 = arith.constant 0 : i32
    %dma_start3A_24 = arith.constant 0 : i32
    %dma_start3A_25 = tpu.memref_slice %arg3[%dma_start3A_23, %dma_start3A_24] : memref<1000000x64xf32, #tpu.memory_space<hbm>> -> memref<1000000x64xf32, #tpu.memory_space<hbm>>
    tpu.enqueue_indirect_dma source(%dma_start3A_25 : memref<1000000x64xf32, #tpu.memory_space<hbm>>) target(%dma_start3A_20 : memref<80x64xf32, #tpu.memory_space<vmem>>) offsets(%dma_start3A_22 : memref<80xi32, #tpu.memory_space<vmem>>) semaphore(%arg10 : memref<!tpu.dma_semaphore, #tpu.memory_space<semaphore_mem>>)
    %dma_start3A_26 = arith.constant 240 : i32
    %dma_start3A_27 = arith.constant 0 : i32
    %dma_start3A_28 = tpu.memref_slice %arg8[%dma_start3A_26, %dma_start3A_27] : memref<400x64xf32, #tpu.memory_space<vmem>> -> memref<80x64xf32, #tpu.memory_space<vmem>>
    %dma_start3A_29 = arith.constant 240 : i32
    %dma_start3A_30 = tpu.memref_slice %arg7[%dma_start3A_29] : memref<25600xi32, #tpu.memory_space<vmem>> -> memref<80xi32, #tpu.memory_space<vmem>>
    %dma_start3A_31 = arith.constant 0 : i32
    %dma_start3A_32 = arith.constant 0 : i32
    %dma_start3A_33 = tpu.memref_slice %arg3[%dma_start3A_31, %dma_start3A_32] : memref<1000000x64xf32, #tpu.memory_space<hbm>> -> memref<1000000x64xf32, #tpu.memory_space<hbm>>
    tpu.enqueue_indirect_dma source(%dma_start3A_33 : memref<1000000x64xf32, #tpu.memory_space<hbm>>) target(%dma_start3A_28 : memref<80x64xf32, #tpu.memory_space<vmem>>) offsets(%dma_start3A_30 : memref<80xi32, #tpu.memory_space<vmem>>) semaphore(%arg10 : memref<!tpu.dma_semaphore, #tpu.memory_space<semaphore_mem>>)
    %dma_start3A_34 = arith.constant 320 : i32
    %dma_start3A_35 = arith.constant 0 : i32
    %dma_start3A_36 = tpu.memref_slice %arg8[%dma_start3A_34, %dma_start3A_35] : memref<400x64xf32, #tpu.memory_space<vmem>> -> memref<80x64xf32, #tpu.memory_space<vmem>>
    %dma_start3A_37 = arith.constant 320 : i32
    %dma_start3A_38 = tpu.memref_slice %arg7[%dma_start3A_37] : memref<25600xi32, #tpu.memory_space<vmem>> -> memref<80xi32, #tpu.memory_space<vmem>>
    %dma_start3A_39 = arith.constant 0 : i32
    %dma_start3A_40 = arith.constant 0 : i32
    %dma_start3A_41 = tpu.memref_slice %arg3[%dma_start3A_39, %dma_start3A_40] : memref<1000000x64xf32, #tpu.memory_space<hbm>> -> memref<1000000x64xf32, #tpu.memory_space<hbm>>
    tpu.enqueue_indirect_dma source(%dma_start3A_41 : memref<1000000x64xf32, #tpu.memory_space<hbm>>) target(%dma_start3A_36 : memref<80x64xf32, #tpu.memory_space<vmem>>) offsets(%dma_start3A_38 : memref<80xi32, #tpu.memory_space<vmem>>) semaphore(%arg10 : memref<!tpu.dma_semaphore, #tpu.memory_space<semaphore_mem>>)
    %scan3A = arith.constant 0 : i32
    %scan3A_42 = arith.constant 0 : i32
    %scan3A_43 = arith.constant 32 : i32
    %scan3A_44 = arith.addi %scan3A_42, %scan3A_43 : i32
    %scan3A_45 = arith.constant 1 : i32
    scf.for %scan3A_54 = %scan3A_42 to %scan3A_44 step %scan3A_45  : i32 {
      %mul3A_55 = arith.constant 2 : i32
      %mul3A_56 = arith.muli %mul3A_55, %scan3A_54 : i32
      %dma_wait3A_57 = arith.constant 0 : i32
      %dma_wait3A_58 = tpu.memref_slice %arg7[%dma_wait3A_57] : memref<25600xi32, #tpu.memory_space<vmem>> -> memref<400xi32, #tpu.memory_space<vmem>>
      %dma_wait3A_59 = arith.constant 0 : i32
      %dma_wait3A_60 = arith.constant 0 : i32
      %dma_wait3A_61 = tpu.memref_slice %arg3[%dma_wait3A_59, %dma_wait3A_60] : memref<1000000x64xf32, #tpu.memory_space<hbm>> -> memref<1000000x64xf32, #tpu.memory_space<hbm>>
      tpu.wait_indirect_dma semaphore(%arg10 : memref<!tpu.dma_semaphore, #tpu.memory_space<semaphore_mem>>) src(%dma_wait3A_61 : memref<1000000x64xf32, #tpu.memory_space<hbm>>) dst(%arg8 : memref<400x64xf32, #tpu.memory_space<vmem>>)
      %gt3A = arith.constant 0 : i32
      %gt3A_62 = arith.cmpi sgt, %scan3A_54, %gt3A : i32
      %convert_element_type3A = arith.extui %gt3A_62 : i1 to i32
      %cond3A = arith.constant 0 : i32
      %cond3A_63 = arith.cmpi ne, %convert_element_type3A, %cond3A : i32
      scf.if %cond3A_63 {
        %dma_wait3A_158 = arith.constant 0 : i32
        %dma_wait3A_159 = tpu.memref_slice %arg5[%mul3A_2, %dma_wait3A_158] : memref<819200x64xf32, #tpu.memory_space<hbm>> -> memref<400x64xf32, #tpu.memory_space<hbm>>
        %dma_wait3A_160 = arith.constant 0 : i32
        %dma_wait3A_161 = tpu.memref_slice %arg5[%mul3A_2, %dma_wait3A_160] : memref<819200x64xf32, #tpu.memory_space<hbm>> -> memref<400x64xf32, #tpu.memory_space<hbm>>
        tpu.wait_dma2 semaphore(%arg13 : memref<!tpu.dma_semaphore, #tpu.memory_space<semaphore_mem>>) src(%arg9 : memref<400x64xf32, #tpu.memory_space<vmem>>) dst(%dma_wait3A_161 : memref<400x64xf32, #tpu.memory_space<hbm>>)
      } else {
      }
      %add3A_64 = arith.constant 1 : i32
      %add3A_65 = arith.addi %mul3A_56, %add3A_64 : i32
      %mul3A_66 = arith.constant 400 : i32
      %mul3A_67 = arith.muli %add3A_65, %mul3A_66 : i32
      %add3A_68 = arith.constant 0 : i32
      %add3A_69 = arith.addi %mul3A_67, %add3A_68 : i32
      %dma_start3A_70 = arith.constant 0 : i32
      %dma_start3A_71 = arith.constant 0 : i32
      %dma_start3A_72 = tpu.memref_slice %arg9[%dma_start3A_70, %dma_start3A_71] : memref<400x64xf32, #tpu.memory_space<vmem>> -> memref<80x64xf32, #tpu.memory_space<vmem>>
      %dma_start3A_73 = tpu.memref_slice %arg7[%add3A_69] : memref<25600xi32, #tpu.memory_space<vmem>> -> memref<80xi32, #tpu.memory_space<vmem>>
      %dma_start3A_74 = arith.constant 0 : i32
      %dma_start3A_75 = arith.constant 0 : i32
      %dma_start3A_76 = tpu.memref_slice %arg3[%dma_start3A_74, %dma_start3A_75] : memref<1000000x64xf32, #tpu.memory_space<hbm>> -> memref<1000000x64xf32, #tpu.memory_space<hbm>>
      tpu.enqueue_indirect_dma source(%dma_start3A_76 : memref<1000000x64xf32, #tpu.memory_space<hbm>>) target(%dma_start3A_72 : memref<80x64xf32, #tpu.memory_space<vmem>>) offsets(%dma_start3A_73 : memref<80xi32, #tpu.memory_space<vmem>>) semaphore(%arg11 : memref<!tpu.dma_semaphore, #tpu.memory_space<semaphore_mem>>)
      %mul3A_77 = arith.constant 400 : i32
      %mul3A_78 = arith.muli %add3A_65, %mul3A_77 : i32
      %add3A_79 = arith.constant 80 : i32
      %add3A_80 = arith.addi %mul3A_78, %add3A_79 : i32
      %dma_start3A_81 = arith.constant 80 : i32
      %dma_start3A_82 = arith.constant 0 : i32
      %dma_start3A_83 = tpu.memref_slice %arg9[%dma_start3A_81, %dma_start3A_82] : memref<400x64xf32, #tpu.memory_space<vmem>> -> memref<80x64xf32, #tpu.memory_space<vmem>>
      %dma_start3A_84 = tpu.memref_slice %arg7[%add3A_80] : memref<25600xi32, #tpu.memory_space<vmem>> -> memref<80xi32, #tpu.memory_space<vmem>>
      %dma_start3A_85 = arith.constant 0 : i32
      %dma_start3A_86 = arith.constant 0 : i32
      %dma_start3A_87 = tpu.memref_slice %arg3[%dma_start3A_85, %dma_start3A_86] : memref<1000000x64xf32, #tpu.memory_space<hbm>> -> memref<1000000x64xf32, #tpu.memory_space<hbm>>
      tpu.enqueue_indirect_dma source(%dma_start3A_87 : memref<1000000x64xf32, #tpu.memory_space<hbm>>) target(%dma_start3A_83 : memref<80x64xf32, #tpu.memory_space<vmem>>) offsets(%dma_start3A_84 : memref<80xi32, #tpu.memory_space<vmem>>) semaphore(%arg11 : memref<!tpu.dma_semaphore, #tpu.memory_space<semaphore_mem>>)
      %mul3A_88 = arith.constant 400 : i32
      %mul3A_89 = arith.muli %add3A_65, %mul3A_88 : i32
      %add3A_90 = arith.constant 160 : i32
      %add3A_91 = arith.addi %mul3A_89, %add3A_90 : i32
      %dma_start3A_92 = arith.constant 160 : i32
      %dma_start3A_93 = arith.constant 0 : i32
      %dma_start3A_94 = tpu.memref_slice %arg9[%dma_start3A_92, %dma_start3A_93] : memref<400x64xf32, #tpu.memory_space<vmem>> -> memref<80x64xf32, #tpu.memory_space<vmem>>
      %dma_start3A_95 = tpu.memref_slice %arg7[%add3A_91] : memref<25600xi32, #tpu.memory_space<vmem>> -> memref<80xi32, #tpu.memory_space<vmem>>
      %dma_start3A_96 = arith.constant 0 : i32
      %dma_start3A_97 = arith.constant 0 : i32
      %dma_start3A_98 = tpu.memref_slice %arg3[%dma_start3A_96, %dma_start3A_97] : memref<1000000x64xf32, #tpu.memory_space<hbm>> -> memref<1000000x64xf32, #tpu.memory_space<hbm>>
      tpu.enqueue_indirect_dma source(%dma_start3A_98 : memref<1000000x64xf32, #tpu.memory_space<hbm>>) target(%dma_start3A_94 : memref<80x64xf32, #tpu.memory_space<vmem>>) offsets(%dma_start3A_95 : memref<80xi32, #tpu.memory_space<vmem>>) semaphore(%arg11 : memref<!tpu.dma_semaphore, #tpu.memory_space<semaphore_mem>>)
      %mul3A_99 = arith.constant 400 : i32
      %mul3A_100 = arith.muli %add3A_65, %mul3A_99 : i32
      %add3A_101 = arith.constant 240 : i32
      %add3A_102 = arith.addi %mul3A_100, %add3A_101 : i32
      %dma_start3A_103 = arith.constant 240 : i32
      %dma_start3A_104 = arith.constant 0 : i32
      %dma_start3A_105 = tpu.memref_slice %arg9[%dma_start3A_103, %dma_start3A_104] : memref<400x64xf32, #tpu.memory_space<vmem>> -> memref<80x64xf32, #tpu.memory_space<vmem>>
      %dma_start3A_106 = tpu.memref_slice %arg7[%add3A_102] : memref<25600xi32, #tpu.memory_space<vmem>> -> memref<80xi32, #tpu.memory_space<vmem>>
      %dma_start3A_107 = arith.constant 0 : i32
      %dma_start3A_108 = arith.constant 0 : i32
      %dma_start3A_109 = tpu.memref_slice %arg3[%dma_start3A_107, %dma_start3A_108] : memref<1000000x64xf32, #tpu.memory_space<hbm>> -> memref<1000000x64xf32, #tpu.memory_space<hbm>>
      tpu.enqueue_indirect_dma source(%dma_start3A_109 : memref<1000000x64xf32, #tpu.memory_space<hbm>>) target(%dma_start3A_105 : memref<80x64xf32, #tpu.memory_space<vmem>>) offsets(%dma_start3A_106 : memref<80xi32, #tpu.memory_space<vmem>>) semaphore(%arg11 : memref<!tpu.dma_semaphore, #tpu.memory_space<semaphore_mem>>)
      %mul3A_110 = arith.constant 400 : i32
      %mul3A_111 = arith.muli %add3A_65, %mul3A_110 : i32
      %add3A_112 = arith.constant 320 : i32
      %add3A_113 = arith.addi %mul3A_111, %add3A_112 : i32
      %dma_start3A_114 = arith.constant 320 : i32
      %dma_start3A_115 = arith.constant 0 : i32
      %dma_start3A_116 = tpu.memref_slice %arg9[%dma_start3A_114, %dma_start3A_115] : memref<400x64xf32, #tpu.memory_space<vmem>> -> memref<80x64xf32, #tpu.memory_space<vmem>>
      %dma_start3A_117 = tpu.memref_slice %arg7[%add3A_113] : memref<25600xi32, #tpu.memory_space<vmem>> -> memref<80xi32, #tpu.memory_space<vmem>>
      %dma_start3A_118 = arith.constant 0 : i32
      %dma_start3A_119 = arith.constant 0 : i32
      %dma_start3A_120 = tpu.memref_slice %arg3[%dma_start3A_118, %dma_start3A_119] : memref<1000000x64xf32, #tpu.memory_space<hbm>> -> memref<1000000x64xf32, #tpu.memory_space<hbm>>
      tpu.enqueue_indirect_dma source(%dma_start3A_120 : memref<1000000x64xf32, #tpu.memory_space<hbm>>) target(%dma_start3A_116 : memref<80x64xf32, #tpu.memory_space<vmem>>) offsets(%dma_start3A_117 : memref<80xi32, #tpu.memory_space<vmem>>) semaphore(%arg11 : memref<!tpu.dma_semaphore, #tpu.memory_space<semaphore_mem>>)
      %scan3A_121 = arith.constant 0 : i32
      %scan3A_122 = arith.constant 0 : i32
      %scan3A_123 = arith.constant 200 : i32
      %scan3A_124 = arith.addi %scan3A_122, %scan3A_123 : i32
      %scan3A_125 = arith.constant 1 : i32
      scf.for %scan3A_158 = %scan3A_122 to %scan3A_124 step %scan3A_125  : i32 {
        %get3A = arith.index_cast %scan3A_158 : i32 to index
        %get3A_159 = arith.constant 0 : index
        %get3A_160 = tpu.vector_load %arg6[%get3A, %get3A_159] {strides = array<i32>} : memref<200x64xf32, #tpu.memory_space<vmem>>, vector<1x16xf32>,
        %get3A_161 = vector.shape_cast %get3A_160 : vector<1x16xf32> to vector<16xf32>
        %add3A_162 = arith.constant 0 : i32
        %add3A_163 = arith.addi %add3A_162, %scan3A_158 : i32
        %get3A_164 = arith.index_cast %add3A_163 : i32 to index
        %get3A_165 = arith.constant 0 : index
        %get3A_166 = tpu.vector_load %arg8[%get3A_164, %get3A_165] {strides = array<i32>} : memref<400x64xf32, #tpu.memory_space<vmem>>, vector<1x16xf32>,
        %get3A_167 = vector.shape_cast %get3A_166 : vector<1x16xf32> to vector<16xf32>
        %add3A_168 = arith.addf %get3A_167, %get3A_161 : vector<16xf32>
        %swap3A = arith.index_cast %add3A_163 : i32 to index
        %swap3A_169 = arith.constant 0 : index
        %swap3A_170 = tpu.vector_load %arg8[%swap3A, %swap3A_169] {strides = array<i32>} : memref<400x64xf32, #tpu.memory_space<vmem>>, vector<1x16xf32>,
        %swap3A_171 = vector.shape_cast %swap3A_170 : vector<1x16xf32> to vector<16xf32>
        %swap3A_172 = vector.shape_cast %add3A_168 : vector<16xf32> to vector<1x16xf32>
        tpu.vector_store %arg8[%swap3A, %swap3A_169], %swap3A_172 {strides = array<i32>} : memref<400x64xf32, #tpu.memory_space<vmem>>, vector<1x16xf32>,
        %add3A_173 = arith.constant 200 : i32
        %add3A_174 = arith.addi %add3A_173, %scan3A_158 : i32
        %get3A_175 = arith.index_cast %add3A_174 : i32 to index
        %get3A_176 = arith.constant 0 : index
        %get3A_177 = tpu.vector_load %arg8[%get3A_175, %get3A_176] {strides = array<i32>} : memref<400x64xf32, #tpu.memory_space<vmem>>, vector<1x16xf32>,
        %get3A_178 = vector.shape_cast %get3A_177 : vector<1x16xf32> to vector<16xf32>
        %add3A_179 = arith.addf %get3A_178, %get3A_161 : vector<16xf32>
        %swap3A_180 = arith.index_cast %add3A_174 : i32 to index
        %swap3A_181 = arith.constant 0 : index
        %swap3A_182 = tpu.vector_load %arg8[%swap3A_180, %swap3A_181] {strides = array<i32>} : memref<400x64xf32, #tpu.memory_space<vmem>>, vector<1x16xf32>,
        %swap3A_183 = vector.shape_cast %swap3A_182 : vector<1x16xf32> to vector<16xf32>
        %swap3A_184 = vector.shape_cast %add3A_179 : vector<16xf32> to vector<1x16xf32>
        tpu.vector_store %arg8[%swap3A_180, %swap3A_181], %swap3A_184 {strides = array<i32>} : memref<400x64xf32, #tpu.memory_space<vmem>>, vector<1x16xf32>,
        %get3A_185 = arith.index_cast %scan3A_158 : i32 to index
        %get3A_186 = arith.constant 16 : index
        %get3A_187 = tpu.vector_load %arg6[%get3A_185, %get3A_186] {strides = array<i32>} : memref<200x64xf32, #tpu.memory_space<vmem>>, vector<1x16xf32>,
        %get3A_188 = vector.shape_cast %get3A_187 : vector<1x16xf32> to vector<16xf32>
        %add3A_189 = arith.constant 0 : i32
        %add3A_190 = arith.addi %add3A_189, %scan3A_158 : i32
        %get3A_191 = arith.index_cast %add3A_190 : i32 to index
        %get3A_192 = arith.constant 16 : index
        %get3A_193 = tpu.vector_load %arg8[%get3A_191, %get3A_192] {strides = array<i32>} : memref<400x64xf32, #tpu.memory_space<vmem>>, vector<1x16xf32>,
        %get3A_194 = vector.shape_cast %get3A_193 : vector<1x16xf32> to vector<16xf32>
        %add3A_195 = arith.addf %get3A_194, %get3A_188 : vector<16xf32>
        %swap3A_196 = arith.index_cast %add3A_190 : i32 to index
        %swap3A_197 = arith.constant 16 : index
        %swap3A_198 = tpu.vector_load %arg8[%swap3A_196, %swap3A_197] {strides = array<i32>} : memref<400x64xf32, #tpu.memory_space<vmem>>, vector<1x16xf32>,
        %swap3A_199 = vector.shape_cast %swap3A_198 : vector<1x16xf32> to vector<16xf32>
        %swap3A_200 = vector.shape_cast %add3A_195 : vector<16xf32> to vector<1x16xf32>
        tpu.vector_store %arg8[%swap3A_196, %swap3A_197], %swap3A_200 {strides = array<i32>} : memref<400x64xf32, #tpu.memory_space<vmem>>, vector<1x16xf32>,
        %add3A_201 = arith.constant 200 : i32
        %add3A_202 = arith.addi %add3A_201, %scan3A_158 : i32
        %get3A_203 = arith.index_cast %add3A_202 : i32 to index
        %get3A_204 = arith.constant 16 : index
        %get3A_205 = tpu.vector_load %arg8[%get3A_203, %get3A_204] {strides = array<i32>} : memref<400x64xf32, #tpu.memory_space<vmem>>, vector<1x16xf32>,
        %get3A_206 = vector.shape_cast %get3A_205 : vector<1x16xf32> to vector<16xf32>
        %add3A_207 = arith.addf %get3A_206, %get3A_188 : vector<16xf32>
        %swap3A_208 = arith.index_cast %add3A_202 : i32 to index
        %swap3A_209 = arith.constant 16 : index
        %swap3A_210 = tpu.vector_load %arg8[%swap3A_208, %swap3A_209] {strides = array<i32>} : memref<400x64xf32, #tpu.memory_space<vmem>>, vector<1x16xf32>,
        %swap3A_211 = vector.shape_cast %swap3A_210 : vector<1x16xf32> to vector<16xf32>
        %swap3A_212 = vector.shape_cast %add3A_207 : vector<16xf32> to vector<1x16xf32>
        tpu.vector_store %arg8[%swap3A_208, %swap3A_209], %swap3A_212 {strides = array<i32>} : memref<400x64xf32, #tpu.memory_space<vmem>>, vector<1x16xf32>,
        %get3A_213 = arith.index_cast %scan3A_158 : i32 to index
        %get3A_214 = arith.constant 32 : index
        %get3A_215 = tpu.vector_load %arg6[%get3A_213, %get3A_214] {strides = array<i32>} : memref<200x64xf32, #tpu.memory_space<vmem>>, vector<1x16xf32>,
        %get3A_216 = vector.shape_cast %get3A_215 : vector<1x16xf32> to vector<16xf32>
        %add3A_217 = arith.constant 0 : i32
        %add3A_218 = arith.addi %add3A_217, %scan3A_158 : i32
        %get3A_219 = arith.index_cast %add3A_218 : i32 to index
        %get3A_220 = arith.constant 32 : index
        %get3A_221 = tpu.vector_load %arg8[%get3A_219, %get3A_220] {strides = array<i32>} : memref<400x64xf32, #tpu.memory_space<vmem>>, vector<1x16xf32>,
        %get3A_222 = vector.shape_cast %get3A_221 : vector<1x16xf32> to vector<16xf32>
        %add3A_223 = arith.addf %get3A_222, %get3A_216 : vector<16xf32>
        %swap3A_224 = arith.index_cast %add3A_218 : i32 to index
        %swap3A_225 = arith.constant 32 : index
        %swap3A_226 = tpu.vector_load %arg8[%swap3A_224, %swap3A_225] {strides = array<i32>} : memref<400x64xf32, #tpu.memory_space<vmem>>, vector<1x16xf32>,
        %swap3A_227 = vector.shape_cast %swap3A_226 : vector<1x16xf32> to vector<16xf32>
        %swap3A_228 = vector.shape_cast %add3A_223 : vector<16xf32> to vector<1x16xf32>
        tpu.vector_store %arg8[%swap3A_224, %swap3A_225], %swap3A_228 {strides = array<i32>} : memref<400x64xf32, #tpu.memory_space<vmem>>, vector<1x16xf32>,
        %add3A_229 = arith.constant 200 : i32
        %add3A_230 = arith.addi %add3A_229, %scan3A_158 : i32
        %get3A_231 = arith.index_cast %add3A_230 : i32 to index
        %get3A_232 = arith.constant 32 : index
        %get3A_233 = tpu.vector_load %arg8[%get3A_231, %get3A_232] {strides = array<i32>} : memref<400x64xf32, #tpu.memory_space<vmem>>, vector<1x16xf32>,
        %get3A_234 = vector.shape_cast %get3A_233 : vector<1x16xf32> to vector<16xf32>
        %add3A_235 = arith.addf %get3A_234, %get3A_216 : vector<16xf32>
        %swap3A_236 = arith.index_cast %add3A_230 : i32 to index
        %swap3A_237 = arith.constant 32 : index
        %swap3A_238 = tpu.vector_load %arg8[%swap3A_236, %swap3A_237] {strides = array<i32>} : memref<400x64xf32, #tpu.memory_space<vmem>>, vector<1x16xf32>,
        %swap3A_239 = vector.shape_cast %swap3A_238 : vector<1x16xf32> to vector<16xf32>
        %swap3A_240 = vector.shape_cast %add3A_235 : vector<16xf32> to vector<1x16xf32>
        tpu.vector_store %arg8[%swap3A_236, %swap3A_237], %swap3A_240 {strides = array<i32>} : memref<400x64xf32, #tpu.memory_space<vmem>>, vector<1x16xf32>,
        %get3A_241 = arith.index_cast %scan3A_158 : i32 to index
        %get3A_242 = arith.constant 48 : index
        %get3A_243 = tpu.vector_load %arg6[%get3A_241, %get3A_242] {strides = array<i32>} : memref<200x64xf32, #tpu.memory_space<vmem>>, vector<1x16xf32>,
        %get3A_244 = vector.shape_cast %get3A_243 : vector<1x16xf32> to vector<16xf32>
        %add3A_245 = arith.constant 0 : i32
        %add3A_246 = arith.addi %add3A_245, %scan3A_158 : i32
        %get3A_247 = arith.index_cast %add3A_246 : i32 to index
        %get3A_248 = arith.constant 48 : index
        %get3A_249 = tpu.vector_load %arg8[%get3A_247, %get3A_248] {strides = array<i32>} : memref<400x64xf32, #tpu.memory_space<vmem>>, vector<1x16xf32>,
        %get3A_250 = vector.shape_cast %get3A_249 : vector<1x16xf32> to vector<16xf32>
        %add3A_251 = arith.addf %get3A_250, %get3A_244 : vector<16xf32>
        %swap3A_252 = arith.index_cast %add3A_246 : i32 to index
        %swap3A_253 = arith.constant 48 : index
        %swap3A_254 = tpu.vector_load %arg8[%swap3A_252, %swap3A_253] {strides = array<i32>} : memref<400x64xf32, #tpu.memory_space<vmem>>, vector<1x16xf32>,
        %swap3A_255 = vector.shape_cast %swap3A_254 : vector<1x16xf32> to vector<16xf32>
        %swap3A_256 = vector.shape_cast %add3A_251 : vector<16xf32> to vector<1x16xf32>
        tpu.vector_store %arg8[%swap3A_252, %swap3A_253], %swap3A_256 {strides = array<i32>} : memref<400x64xf32, #tpu.memory_space<vmem>>, vector<1x16xf32>,
        %add3A_257 = arith.constant 200 : i32
        %add3A_258 = arith.addi %add3A_257, %scan3A_158 : i32
        %get3A_259 = arith.index_cast %add3A_258 : i32 to index
        %get3A_260 = arith.constant 48 : index
        %get3A_261 = tpu.vector_load %arg8[%get3A_259, %get3A_260] {strides = array<i32>} : memref<400x64xf32, #tpu.memory_space<vmem>>, vector<1x16xf32>,
        %get3A_262 = vector.shape_cast %get3A_261 : vector<1x16xf32> to vector<16xf32>
        %add3A_263 = arith.addf %get3A_262, %get3A_244 : vector<16xf32>
        %swap3A_264 = arith.index_cast %add3A_258 : i32 to index
        %swap3A_265 = arith.constant 48 : index
        %swap3A_266 = tpu.vector_load %arg8[%swap3A_264, %swap3A_265] {strides = array<i32>} : memref<400x64xf32, #tpu.memory_space<vmem>>, vector<1x16xf32>,
        %swap3A_267 = vector.shape_cast %swap3A_266 : vector<1x16xf32> to vector<16xf32>
        %swap3A_268 = vector.shape_cast %add3A_263 : vector<16xf32> to vector<1x16xf32>
        tpu.vector_store %arg8[%swap3A_264, %swap3A_265], %swap3A_268 {strides = array<i32>} : memref<400x64xf32, #tpu.memory_space<vmem>>, vector<1x16xf32>,
      }
      %scan3A_126 = arith.constant 200 : i32
      %mul3A_127 = arith.constant 400 : i32
      %mul3A_128 = arith.muli %mul3A_56, %mul3A_127 : i32
      %add3A_129 = arith.addi %mul3A_2, %mul3A_128 : i32
      %dma_start3A_130 = arith.constant 0 : i32
      %dma_start3A_131 = tpu.memref_slice %arg5[%add3A_129, %dma_start3A_130] : memref<819200x64xf32, #tpu.memory_space<hbm>> -> memref<400x64xf32, #tpu.memory_space<hbm>>
      %dma_start3A_132 = arith.constant 0 : i32
      %dma_start3A_133 = tpu.memref_slice %arg5[%add3A_129, %dma_start3A_132] : memref<819200x64xf32, #tpu.memory_space<hbm>> -> memref<400x64xf32, #tpu.memory_space<hbm>>
      tpu.enqueue_dma source(%arg8 : memref<400x64xf32, #tpu.memory_space<vmem>>) target(%dma_start3A_133 : memref<400x64xf32, #tpu.memory_space<hbm>>) target_semaphore(%arg12 : memref<!tpu.dma_semaphore, #tpu.memory_space<semaphore_mem>>)
      %dma_wait3A_134 = arith.constant 0 : i32
      %dma_wait3A_135 = tpu.memref_slice %arg7[%dma_wait3A_134] : memref<25600xi32, #tpu.memory_space<vmem>> -> memref<400xi32, #tpu.memory_space<vmem>>
      %dma_wait3A_136 = arith.constant 0 : i32
      %dma_wait3A_137 = arith.constant 0 : i32
      %dma_wait3A_138 = tpu.memref_slice %arg3[%dma_wait3A_136, %dma_wait3A_137] : memref<1000000x64xf32, #tpu.memory_space<hbm>> -> memref<1000000x64xf32, #tpu.memory_space<hbm>>
      tpu.wait_indirect_dma semaphore(%arg11 : memref<!tpu.dma_semaphore, #tpu.memory_space<semaphore_mem>>) src(%dma_wait3A_138 : memref<1000000x64xf32, #tpu.memory_space<hbm>>) dst(%arg9 : memref<400x64xf32, #tpu.memory_space<vmem>>)
      %lt3A = arith.constant 31 : i32
      %lt3A_139 = arith.cmpi slt, %scan3A_54, %lt3A : i32
      %convert_element_type3A_140 = arith.extui %lt3A_139 : i1 to i32
      %cond3A_141 = arith.constant 0 : i32
      %cond3A_142 = arith.cmpi ne, %convert_element_type3A_140, %cond3A_141 : i32
      scf.if %cond3A_142 {
        %dma_wait3A_158 = arith.constant 0 : i32
        %dma_wait3A_159 = tpu.memref_slice %arg5[%mul3A_2, %dma_wait3A_158] : memref<819200x64xf32, #tpu.memory_space<hbm>> -> memref<400x64xf32, #tpu.memory_space<hbm>>
        %dma_wait3A_160 = arith.constant 0 : i32
        %dma_wait3A_161 = tpu.memref_slice %arg5[%mul3A_2, %dma_wait3A_160] : memref<819200x64xf32, #tpu.memory_space<hbm>> -> memref<400x64xf32, #tpu.memory_space<hbm>>
        tpu.wait_dma2 semaphore(%arg12 : memref<!tpu.dma_semaphore, #tpu.memory_space<semaphore_mem>>) src(%arg8 : memref<400x64xf32, #tpu.memory_space<vmem>>) dst(%dma_wait3A_161 : memref<400x64xf32, #tpu.memory_space<hbm>>)
        %add3A_162 = arith.constant 2 : i32
        %add3A_163 = arith.addi %mul3A_56, %add3A_162 : i32
        %mul3A_164 = arith.constant 400 : i32
        %mul3A_165 = arith.muli %add3A_163, %mul3A_164 : i32
        %add3A_166 = arith.constant 0 : i32
        %add3A_167 = arith.addi %mul3A_165, %add3A_166 : i32
        %dma_start3A_168 = arith.constant 0 : i32
        %dma_start3A_169 = arith.constant 0 : i32
        %dma_start3A_170 = tpu.memref_slice %arg8[%dma_start3A_168, %dma_start3A_169] : memref<400x64xf32, #tpu.memory_space<vmem>> -> memref<80x64xf32, #tpu.memory_space<vmem>>
        %dma_start3A_171 = tpu.memref_slice %arg7[%add3A_167] : memref<25600xi32, #tpu.memory_space<vmem>> -> memref<80xi32, #tpu.memory_space<vmem>>
        %dma_start3A_172 = arith.constant 0 : i32
        %dma_start3A_173 = arith.constant 0 : i32
        %dma_start3A_174 = tpu.memref_slice %arg3[%dma_start3A_172, %dma_start3A_173] : memref<1000000x64xf32, #tpu.memory_space<hbm>> -> memref<1000000x64xf32, #tpu.memory_space<hbm>>
        tpu.enqueue_indirect_dma source(%dma_start3A_174 : memref<1000000x64xf32, #tpu.memory_space<hbm>>) target(%dma_start3A_170 : memref<80x64xf32, #tpu.memory_space<vmem>>) offsets(%dma_start3A_171 : memref<80xi32, #tpu.memory_space<vmem>>) semaphore(%arg10 : memref<!tpu.dma_semaphore, #tpu.memory_space<semaphore_mem>>)
        %mul3A_175 = arith.constant 400 : i32
        %mul3A_176 = arith.muli %add3A_163, %mul3A_175 : i32
        %add3A_177 = arith.constant 80 : i32
        %add3A_178 = arith.addi %mul3A_176, %add3A_177 : i32
        %dma_start3A_179 = arith.constant 80 : i32
        %dma_start3A_180 = arith.constant 0 : i32
        %dma_start3A_181 = tpu.memref_slice %arg8[%dma_start3A_179, %dma_start3A_180] : memref<400x64xf32, #tpu.memory_space<vmem>> -> memref<80x64xf32, #tpu.memory_space<vmem>>
        %dma_start3A_182 = tpu.memref_slice %arg7[%add3A_178] : memref<25600xi32, #tpu.memory_space<vmem>> -> memref<80xi32, #tpu.memory_space<vmem>>
        %dma_start3A_183 = arith.constant 0 : i32
        %dma_start3A_184 = arith.constant 0 : i32
        %dma_start3A_185 = tpu.memref_slice %arg3[%dma_start3A_183, %dma_start3A_184] : memref<1000000x64xf32, #tpu.memory_space<hbm>> -> memref<1000000x64xf32, #tpu.memory_space<hbm>>
        tpu.enqueue_indirect_dma source(%dma_start3A_185 : memref<1000000x64xf32, #tpu.memory_space<hbm>>) target(%dma_start3A_181 : memref<80x64xf32, #tpu.memory_space<vmem>>) offsets(%dma_start3A_182 : memref<80xi32, #tpu.memory_space<vmem>>) semaphore(%arg10 : memref<!tpu.dma_semaphore, #tpu.memory_space<semaphore_mem>>)
        %mul3A_186 = arith.constant 400 : i32
        %mul3A_187 = arith.muli %add3A_163, %mul3A_186 : i32
        %add3A_188 = arith.constant 160 : i32
        %add3A_189 = arith.addi %mul3A_187, %add3A_188 : i32
        %dma_start3A_190 = arith.constant 160 : i32
        %dma_start3A_191 = arith.constant 0 : i32
        %dma_start3A_192 = tpu.memref_slice %arg8[%dma_start3A_190, %dma_start3A_191] : memref<400x64xf32, #tpu.memory_space<vmem>> -> memref<80x64xf32, #tpu.memory_space<vmem>>
        %dma_start3A_193 = tpu.memref_slice %arg7[%add3A_189] : memref<25600xi32, #tpu.memory_space<vmem>> -> memref<80xi32, #tpu.memory_space<vmem>>
        %dma_start3A_194 = arith.constant 0 : i32
        %dma_start3A_195 = arith.constant 0 : i32
        %dma_start3A_196 = tpu.memref_slice %arg3[%dma_start3A_194, %dma_start3A_195] : memref<1000000x64xf32, #tpu.memory_space<hbm>> -> memref<1000000x64xf32, #tpu.memory_space<hbm>>
        tpu.enqueue_indirect_dma source(%dma_start3A_196 : memref<1000000x64xf32, #tpu.memory_space<hbm>>) target(%dma_start3A_192 : memref<80x64xf32, #tpu.memory_space<vmem>>) offsets(%dma_start3A_193 : memref<80xi32, #tpu.memory_space<vmem>>) semaphore(%arg10 : memref<!tpu.dma_semaphore, #tpu.memory_space<semaphore_mem>>)
        %mul3A_197 = arith.constant 400 : i32
        %mul3A_198 = arith.muli %add3A_163, %mul3A_197 : i32
        %add3A_199 = arith.constant 240 : i32
        %add3A_200 = arith.addi %mul3A_198, %add3A_199 : i32
        %dma_start3A_201 = arith.constant 240 : i32
        %dma_start3A_202 = arith.constant 0 : i32
        %dma_start3A_203 = tpu.memref_slice %arg8[%dma_start3A_201, %dma_start3A_202] : memref<400x64xf32, #tpu.memory_space<vmem>> -> memref<80x64xf32, #tpu.memory_space<vmem>>
        %dma_start3A_204 = tpu.memref_slice %arg7[%add3A_200] : memref<25600xi32, #tpu.memory_space<vmem>> -> memref<80xi32, #tpu.memory_space<vmem>>
        %dma_start3A_205 = arith.constant 0 : i32
        %dma_start3A_206 = arith.constant 0 : i32
        %dma_start3A_207 = tpu.memref_slice %arg3[%dma_start3A_205, %dma_start3A_206] : memref<1000000x64xf32, #tpu.memory_space<hbm>> -> memref<1000000x64xf32, #tpu.memory_space<hbm>>
        tpu.enqueue_indirect_dma source(%dma_start3A_207 : memref<1000000x64xf32, #tpu.memory_space<hbm>>) target(%dma_start3A_203 : memref<80x64xf32, #tpu.memory_space<vmem>>) offsets(%dma_start3A_204 : memref<80xi32, #tpu.memory_space<vmem>>) semaphore(%arg10 : memref<!tpu.dma_semaphore, #tpu.memory_space<semaphore_mem>>)
        %mul3A_208 = arith.constant 400 : i32
        %mul3A_209 = arith.muli %add3A_163, %mul3A_208 : i32
        %add3A_210 = arith.constant 320 : i32
        %add3A_211 = arith.addi %mul3A_209, %add3A_210 : i32
        %dma_start3A_212 = arith.constant 320 : i32
        %dma_start3A_213 = arith.constant 0 : i32
        %dma_start3A_214 = tpu.memref_slice %arg8[%dma_start3A_212, %dma_start3A_213] : memref<400x64xf32, #tpu.memory_space<vmem>> -> memref<80x64xf32, #tpu.memory_space<vmem>>
        %dma_start3A_215 = tpu.memref_slice %arg7[%add3A_211] : memref<25600xi32, #tpu.memory_space<vmem>> -> memref<80xi32, #tpu.memory_space<vmem>>
        %dma_start3A_216 = arith.constant 0 : i32
        %dma_start3A_217 = arith.constant 0 : i32
        %dma_start3A_218 = tpu.memref_slice %arg3[%dma_start3A_216, %dma_start3A_217] : memref<1000000x64xf32, #tpu.memory_space<hbm>> -> memref<1000000x64xf32, #tpu.memory_space<hbm>>
        tpu.enqueue_indirect_dma source(%dma_start3A_218 : memref<1000000x64xf32, #tpu.memory_space<hbm>>) target(%dma_start3A_214 : memref<80x64xf32, #tpu.memory_space<vmem>>) offsets(%dma_start3A_215 : memref<80xi32, #tpu.memory_space<vmem>>) semaphore(%arg10 : memref<!tpu.dma_semaphore, #tpu.memory_space<semaphore_mem>>)
      } else {
      }
      %scan3A_143 = arith.constant 0 : i32
      %scan3A_144 = arith.constant 0 : i32
      %scan3A_145 = arith.constant 200 : i32
      %scan3A_146 = arith.addi %scan3A_144, %scan3A_145 : i32
      %scan3A_147 = arith.constant 1 : i32
      scf.for %scan3A_158 = %scan3A_144 to %scan3A_146 step %scan3A_147  : i32 {
        %get3A = arith.index_cast %scan3A_158 : i32 to index
        %get3A_159 = arith.constant 0 : index
        %get3A_160 = tpu.vector_load %arg6[%get3A, %get3A_159] {strides = array<i32>} : memref<200x64xf32, #tpu.memory_space<vmem>>, vector<1x16xf32>,
        %get3A_161 = vector.shape_cast %get3A_160 : vector<1x16xf32> to vector<16xf32>
        %add3A_162 = arith.constant 0 : i32
        %add3A_163 = arith.addi %add3A_162, %scan3A_158 : i32
        %get3A_164 = arith.index_cast %add3A_163 : i32 to index
        %get3A_165 = arith.constant 0 : index
        %get3A_166 = tpu.vector_load %arg9[%get3A_164, %get3A_165] {strides = array<i32>} : memref<400x64xf32, #tpu.memory_space<vmem>>, vector<1x16xf32>,
        %get3A_167 = vector.shape_cast %get3A_166 : vector<1x16xf32> to vector<16xf32>
        %add3A_168 = arith.addf %get3A_167, %get3A_161 : vector<16xf32>
        %swap3A = arith.index_cast %add3A_163 : i32 to index
        %swap3A_169 = arith.constant 0 : index
        %swap3A_170 = tpu.vector_load %arg9[%swap3A, %swap3A_169] {strides = array<i32>} : memref<400x64xf32, #tpu.memory_space<vmem>>, vector<1x16xf32>,
        %swap3A_171 = vector.shape_cast %swap3A_170 : vector<1x16xf32> to vector<16xf32>
        %swap3A_172 = vector.shape_cast %add3A_168 : vector<16xf32> to vector<1x16xf32>
        tpu.vector_store %arg9[%swap3A, %swap3A_169], %swap3A_172 {strides = array<i32>} : memref<400x64xf32, #tpu.memory_space<vmem>>, vector<1x16xf32>,
        %add3A_173 = arith.constant 200 : i32
        %add3A_174 = arith.addi %add3A_173, %scan3A_158 : i32
        %get3A_175 = arith.index_cast %add3A_174 : i32 to index
        %get3A_176 = arith.constant 0 : index
        %get3A_177 = tpu.vector_load %arg9[%get3A_175, %get3A_176] {strides = array<i32>} : memref<400x64xf32, #tpu.memory_space<vmem>>, vector<1x16xf32>,
        %get3A_178 = vector.shape_cast %get3A_177 : vector<1x16xf32> to vector<16xf32>
        %add3A_179 = arith.addf %get3A_178, %get3A_161 : vector<16xf32>
        %swap3A_180 = arith.index_cast %add3A_174 : i32 to index
        %swap3A_181 = arith.constant 0 : index
        %swap3A_182 = tpu.vector_load %arg9[%swap3A_180, %swap3A_181] {strides = array<i32>} : memref<400x64xf32, #tpu.memory_space<vmem>>, vector<1x16xf32>,
        %swap3A_183 = vector.shape_cast %swap3A_182 : vector<1x16xf32> to vector<16xf32>
        %swap3A_184 = vector.shape_cast %add3A_179 : vector<16xf32> to vector<1x16xf32>
        tpu.vector_store %arg9[%swap3A_180, %swap3A_181], %swap3A_184 {strides = array<i32>} : memref<400x64xf32, #tpu.memory_space<vmem>>, vector<1x16xf32>,
        %get3A_185 = arith.index_cast %scan3A_158 : i32 to index
        %get3A_186 = arith.constant 16 : index
        %get3A_187 = tpu.vector_load %arg6[%get3A_185, %get3A_186] {strides = array<i32>} : memref<200x64xf32, #tpu.memory_space<vmem>>, vector<1x16xf32>,
        %get3A_188 = vector.shape_cast %get3A_187 : vector<1x16xf32> to vector<16xf32>
        %add3A_189 = arith.constant 0 : i32
        %add3A_190 = arith.addi %add3A_189, %scan3A_158 : i32
        %get3A_191 = arith.index_cast %add3A_190 : i32 to index
        %get3A_192 = arith.constant 16 : index
        %get3A_193 = tpu.vector_load %arg9[%get3A_191, %get3A_192] {strides = array<i32>} : memref<400x64xf32, #tpu.memory_space<vmem>>, vector<1x16xf32>,
        %get3A_194 = vector.shape_cast %get3A_193 : vector<1x16xf32> to vector<16xf32>
        %add3A_195 = arith.addf %get3A_194, %get3A_188 : vector<16xf32>
        %swap3A_196 = arith.index_cast %add3A_190 : i32 to index
        %swap3A_197 = arith.constant 16 : index
        %swap3A_198 = tpu.vector_load %arg9[%swap3A_196, %swap3A_197] {strides = array<i32>} : memref<400x64xf32, #tpu.memory_space<vmem>>, vector<1x16xf32>,
        %swap3A_199 = vector.shape_cast %swap3A_198 : vector<1x16xf32> to vector<16xf32>
        %swap3A_200 = vector.shape_cast %add3A_195 : vector<16xf32> to vector<1x16xf32>
        tpu.vector_store %arg9[%swap3A_196, %swap3A_197], %swap3A_200 {strides = array<i32>} : memref<400x64xf32, #tpu.memory_space<vmem>>, vector<1x16xf32>,
        %add3A_201 = arith.constant 200 : i32
        %add3A_202 = arith.addi %add3A_201, %scan3A_158 : i32
        %get3A_203 = arith.index_cast %add3A_202 : i32 to index
        %get3A_204 = arith.constant 16 : index
        %get3A_205 = tpu.vector_load %arg9[%get3A_203, %get3A_204] {strides = array<i32>} : memref<400x64xf32, #tpu.memory_space<vmem>>, vector<1x16xf32>,
        %get3A_206 = vector.shape_cast %get3A_205 : vector<1x16xf32> to vector<16xf32>
        %add3A_207 = arith.addf %get3A_206, %get3A_188 : vector<16xf32>
        %swap3A_208 = arith.index_cast %add3A_202 : i32 to index
        %swap3A_209 = arith.constant 16 : index
        %swap3A_210 = tpu.vector_load %arg9[%swap3A_208, %swap3A_209] {strides = array<i32>} : memref<400x64xf32, #tpu.memory_space<vmem>>, vector<1x16xf32>,
        %swap3A_211 = vector.shape_cast %swap3A_210 : vector<1x16xf32> to vector<16xf32>
        %swap3A_212 = vector.shape_cast %add3A_207 : vector<16xf32> to vector<1x16xf32>
        tpu.vector_store %arg9[%swap3A_208, %swap3A_209], %swap3A_212 {strides = array<i32>} : memref<400x64xf32, #tpu.memory_space<vmem>>, vector<1x16xf32>,
        %get3A_213 = arith.index_cast %scan3A_158 : i32 to index
        %get3A_214 = arith.constant 32 : index
        %get3A_215 = tpu.vector_load %arg6[%get3A_213, %get3A_214] {strides = array<i32>} : memref<200x64xf32, #tpu.memory_space<vmem>>, vector<1x16xf32>,
        %get3A_216 = vector.shape_cast %get3A_215 : vector<1x16xf32> to vector<16xf32>
        %add3A_217 = arith.constant 0 : i32
        %add3A_218 = arith.addi %add3A_217, %scan3A_158 : i32
        %get3A_219 = arith.index_cast %add3A_218 : i32 to index
        %get3A_220 = arith.constant 32 : index
        %get3A_221 = tpu.vector_load %arg9[%get3A_219, %get3A_220] {strides = array<i32>} : memref<400x64xf32, #tpu.memory_space<vmem>>, vector<1x16xf32>,
        %get3A_222 = vector.shape_cast %get3A_221 : vector<1x16xf32> to vector<16xf32>
        %add3A_223 = arith.addf %get3A_222, %get3A_216 : vector<16xf32>
        %swap3A_224 = arith.index_cast %add3A_218 : i32 to index
        %swap3A_225 = arith.constant 32 : index
        %swap3A_226 = tpu.vector_load %arg9[%swap3A_224, %swap3A_225] {strides = array<i32>} : memref<400x64xf32, #tpu.memory_space<vmem>>, vector<1x16xf32>,
        %swap3A_227 = vector.shape_cast %swap3A_226 : vector<1x16xf32> to vector<16xf32>
        %swap3A_228 = vector.shape_cast %add3A_223 : vector<16xf32> to vector<1x16xf32>
        tpu.vector_store %arg9[%swap3A_224, %swap3A_225], %swap3A_228 {strides = array<i32>} : memref<400x64xf32, #tpu.memory_space<vmem>>, vector<1x16xf32>,
        %add3A_229 = arith.constant 200 : i32
        %add3A_230 = arith.addi %add3A_229, %scan3A_158 : i32
        %get3A_231 = arith.index_cast %add3A_230 : i32 to index
        %get3A_232 = arith.constant 32 : index
        %get3A_233 = tpu.vector_load %arg9[%get3A_231, %get3A_232] {strides = array<i32>} : memref<400x64xf32, #tpu.memory_space<vmem>>, vector<1x16xf32>,
        %get3A_234 = vector.shape_cast %get3A_233 : vector<1x16xf32> to vector<16xf32>
        %add3A_235 = arith.addf %get3A_234, %get3A_216 : vector<16xf32>
        %swap3A_236 = arith.index_cast %add3A_230 : i32 to index
        %swap3A_237 = arith.constant 32 : index
        %swap3A_238 = tpu.vector_load %arg9[%swap3A_236, %swap3A_237] {strides = array<i32>} : memref<400x64xf32, #tpu.memory_space<vmem>>, vector<1x16xf32>,
        %swap3A_239 = vector.shape_cast %swap3A_238 : vector<1x16xf32> to vector<16xf32>
        %swap3A_240 = vector.shape_cast %add3A_235 : vector<16xf32> to vector<1x16xf32>
        tpu.vector_store %arg9[%swap3A_236, %swap3A_237], %swap3A_240 {strides = array<i32>} : memref<400x64xf32, #tpu.memory_space<vmem>>, vector<1x16xf32>,
        %get3A_241 = arith.index_cast %scan3A_158 : i32 to index
        %get3A_242 = arith.constant 48 : index
        %get3A_243 = tpu.vector_load %arg6[%get3A_241, %get3A_242] {strides = array<i32>} : memref<200x64xf32, #tpu.memory_space<vmem>>, vector<1x16xf32>,
        %get3A_244 = vector.shape_cast %get3A_243 : vector<1x16xf32> to vector<16xf32>
        %add3A_245 = arith.constant 0 : i32
        %add3A_246 = arith.addi %add3A_245, %scan3A_158 : i32
        %get3A_247 = arith.index_cast %add3A_246 : i32 to index
        %get3A_248 = arith.constant 48 : index
        %get3A_249 = tpu.vector_load %arg9[%get3A_247, %get3A_248] {strides = array<i32>} : memref<400x64xf32, #tpu.memory_space<vmem>>, vector<1x16xf32>,
        %get3A_250 = vector.shape_cast %get3A_249 : vector<1x16xf32> to vector<16xf32>
        %add3A_251 = arith.addf %get3A_250, %get3A_244 : vector<16xf32>
        %swap3A_252 = arith.index_cast %add3A_246 : i32 to index
        %swap3A_253 = arith.constant 48 : index
        %swap3A_254 = tpu.vector_load %arg9[%swap3A_252, %swap3A_253] {strides = array<i32>} : memref<400x64xf32, #tpu.memory_space<vmem>>, vector<1x16xf32>,
        %swap3A_255 = vector.shape_cast %swap3A_254 : vector<1x16xf32> to vector<16xf32>
        %swap3A_256 = vector.shape_cast %add3A_251 : vector<16xf32> to vector<1x16xf32>
        tpu.vector_store %arg9[%swap3A_252, %swap3A_253], %swap3A_256 {strides = array<i32>} : memref<400x64xf32, #tpu.memory_space<vmem>>, vector<1x16xf32>,
        %add3A_257 = arith.constant 200 : i32
        %add3A_258 = arith.addi %add3A_257, %scan3A_158 : i32
        %get3A_259 = arith.index_cast %add3A_258 : i32 to index
        %get3A_260 = arith.constant 48 : index
        %get3A_261 = tpu.vector_load %arg9[%get3A_259, %get3A_260] {strides = array<i32>} : memref<400x64xf32, #tpu.memory_space<vmem>>, vector<1x16xf32>,
        %get3A_262 = vector.shape_cast %get3A_261 : vector<1x16xf32> to vector<16xf32>
        %add3A_263 = arith.addf %get3A_262, %get3A_244 : vector<16xf32>
        %swap3A_264 = arith.index_cast %add3A_258 : i32 to index
        %swap3A_265 = arith.constant 48 : index
        %swap3A_266 = tpu.vector_load %arg9[%swap3A_264, %swap3A_265] {strides = array<i32>} : memref<400x64xf32, #tpu.memory_space<vmem>>, vector<1x16xf32>,
        %swap3A_267 = vector.shape_cast %swap3A_266 : vector<1x16xf32> to vector<16xf32>
        %swap3A_268 = vector.shape_cast %add3A_263 : vector<16xf32> to vector<1x16xf32>
        tpu.vector_store %arg9[%swap3A_264, %swap3A_265], %swap3A_268 {strides = array<i32>} : memref<400x64xf32, #tpu.memory_space<vmem>>, vector<1x16xf32>,
      }
      %scan3A_148 = arith.constant 200 : i32
      %add3A_149 = arith.constant 1 : i32
      %add3A_150 = arith.addi %mul3A_56, %add3A_149 : i32
      %mul3A_151 = arith.constant 400 : i32
      %mul3A_152 = arith.muli %add3A_150, %mul3A_151 : i32
      %add3A_153 = arith.addi %mul3A_2, %mul3A_152 : i32
      %dma_start3A_154 = arith.constant 0 : i32
      %dma_start3A_155 = tpu.memref_slice %arg5[%add3A_153, %dma_start3A_154] : memref<819200x64xf32, #tpu.memory_space<hbm>> -> memref<400x64xf32, #tpu.memory_space<hbm>>
      %dma_start3A_156 = arith.constant 0 : i32
      %dma_start3A_157 = tpu.memref_slice %arg5[%add3A_153, %dma_start3A_156] : memref<819200x64xf32, #tpu.memory_space<hbm>> -> memref<400x64xf32, #tpu.memory_space<hbm>>
      tpu.enqueue_dma source(%arg9 : memref<400x64xf32, #tpu.memory_space<vmem>>) target(%dma_start3A_157 : memref<400x64xf32, #tpu.memory_space<hbm>>) target_semaphore(%arg13 : memref<!tpu.dma_semaphore, #tpu.memory_space<semaphore_mem>>)
    }
    %scan3A_46 = arith.constant 32 : i32
    %dma_wait3A = arith.constant 0 : i32
    %dma_wait3A_47 = tpu.memref_slice %arg5[%mul3A_2, %dma_wait3A] : memref<819200x64xf32, #tpu.memory_space<hbm>> -> memref<400x64xf32, #tpu.memory_space<hbm>>
    %dma_wait3A_48 = arith.constant 0 : i32
    %dma_wait3A_49 = tpu.memref_slice %arg5[%mul3A_2, %dma_wait3A_48] : memref<819200x64xf32, #tpu.memory_space<hbm>> -> memref<400x64xf32, #tpu.memory_space<hbm>>
    tpu.wait_dma2 semaphore(%arg12 : memref<!tpu.dma_semaphore, #tpu.memory_space<semaphore_mem>>) src(%arg8 : memref<400x64xf32, #tpu.memory_space<vmem>>) dst(%dma_wait3A_49 : memref<400x64xf32, #tpu.memory_space<hbm>>)
    %dma_wait3A_50 = arith.constant 0 : i32
    %dma_wait3A_51 = tpu.memref_slice %arg5[%mul3A_2, %dma_wait3A_50] : memref<819200x64xf32, #tpu.memory_space<hbm>> -> memref<400x64xf32, #tpu.memory_space<hbm>>
    %dma_wait3A_52 = arith.constant 0 : i32
    %dma_wait3A_53 = tpu.memref_slice %arg5[%mul3A_2, %dma_wait3A_52] : memref<819200x64xf32, #tpu.memory_space<hbm>> -> memref<400x64xf32, #tpu.memory_space<hbm>>
    tpu.wait_dma2 semaphore(%arg13 : memref<!tpu.dma_semaphore, #tpu.memory_space<semaphore_mem>>) src(%arg9 : memref<400x64xf32, #tpu.memory_space<vmem>>) dst(%dma_wait3A_53 : memref<400x64xf32, #tpu.memory_space<hbm>>)
    return
  }
}

</mosaic_0001>

<sc_bundles>
// kernel: kernel.3.cloned.1.call-start
scs
__scs_entry_jumppad:
0x0: {  	(pc) =	sbr.rel $0x88, $3  }
0x1: {  	(tag) =	ssettag $0x0;
	lr =	simm.s32 $0x1  }
0x2: {  	[smem:$0x3F9E] =	sst lr;
	_ =	strace $0xD0000000  }
0x3: {  	_ = 	snop  }
0x4: {  	_ = 	snop  }
0x5: {  	_ = 	snop  }
0x6: {  	_ = 	snop  }
0x7: {  	_ = 	snop  }
__scs_overlays_trampoline_lowered:
0x8: {  	[smem:$0x3FAD] =	sst s0  }
0x9: {  	[smem:$0x3FAE] =	sst s1  }
0xa: {  	[smem:$0x3FAF] =	sst s2  }
0xb: {  	[smem:$0x3FB0] =	sst s3  }
0xc: {  	[smem:$0x3FB1] =	sst s4  }
0xd: {  	[smem:$0x3FB2] =	sst s5  }
0xe: {  	[smem:$0x3FB3] =	sst s6  }
0xf: {  	[smem:$0x3FB4] =	sst s7  }
0x10: {  	[smem:$0x3FB5] =	sst s8  }
0x11: {  	[smem:$0x3FB6] =	sst s9;
	s0 =	simm.s32 @!p0 $0x0  }
0x12: {  	s1 =	sld [smem:$0x3F9C];
	s0 =	simm.s32 @p0 $0x1  }
0x13: {  	[smem:$0x3FB7] =	sst s0;
	s0 =	simm.s32 @!p1 $0x0  }
0x14: {  	s2 =	sld [smem:$0x3F9B];
	s0 =	simm.s32 @p1 $0x1  }
0x15: {  	[smem:$0x3FB8] =	sst s0;
	s0 =	simm.s32 @!p2 $0x0  }
0x16: {  	s3 =	sld [smem:$0x3FDB];
	s0 =	simm.s32 @p2 $0x1  }
0x17: {  	s4 =	simm.s32 $0x1BF5;
	[smem:$0x3FBA] =	sst s0  }
0x18: {  	s0 =	sld [smem:$0x3F9D];
	_ =	swait.ge [sflag:s4], $0x0  }
0x19: {  	s7 =	sld [smem:$0x3F9E]  }
0x1a: {  	s8 =	sadd.s32 $0xFFFFE003, lr  }
0x1b: {  	s9 =	sadd.s32 $0xFFFFFEF7, lr;
	s5 =	simm.s32 $0xFFFFFFFF;
	p2 =	slt.u32 s8, $0xFFFFF086  }
0x1c: {  	p1 =	slt.u32 s9, $0xF7A;
	s5 =	simm.s32 @!p2 $0x0  }
0x1d: {  	s5 =	simm.s32 @p1 $0x1;
	p0 =	seq.s32 s7, s2  }
0x1e: {  	s7 =	smul.u32 @!p0 $0xF7A, s2;
	p2 =	seq.s32 @!p0 s5, $0x0  }
0x1f: {  	s9 =	smul.u32 $0xF7A, s1;
	s8 =	simm.s32 @!p0 $0x1BF5;
	p2 =	por !p2, p0  }
0x20: {  	[sflag:s8] =	ssyncset.s32 @!p0 $0xFFFFF086;
	s6 =	sadd.s32 @!p0 s3, s7;
	s7 =	simm.s32 @!p0 $0x108  }
0x21: {  	s3 =	sadd.s32 s3, s9;
	s6 =	sadd.s32 @!p0 $0x88, s6;
	s7 =	simm.s32 @p2 $0x1082  }
0x22: {  	[simem:s7], [sflag:s8] =	dma.local @!p0 [hbm:s6], $0xF7A  }
0x23: {  	s9 =	sor.u32 $0xD0000000, s2;
	s6 =	simm.s32 $0x108;
	_ =	swait.ge @!p0 [sflag:s8], $0x0  }
0x24: {  	s3 =	sadd.s32 $0x88, s3;
	s6 =	simm.s32 @!p1 $0x1082;
	[sflag:s4] =	ssyncset.s32 $0xFFFFF086  }
0x25: {  	[simem:s6], [sflag:s4] =	dma.local [hbm:s3], $0xF7A  }
0x26: {  	[smem:$0x3F9E] =	sst s1;
	(tag) =	ssettag s2;
	_ =	strace s9  }
0x27: {  	s1 =	sld [smem:$0x3FAE]  }
0x28: {  	s2 =	sld [smem:$0x3FAF]  }
0x29: {  	s4 =	sld [smem:$0x3FB1]  }
0x2a: {  	p0 =	seq.s32 s5, $0x0;
	s5 =	sld [smem:$0x3FB2]  }
0x2b: {  	s6 =	sld [smem:$0x3FB3]  }
0x2c: {  	s7 =	sld [smem:$0x3FB4]  }
0x2d: {  	s3 =	simm.s32 $0x108;
	s8 =	sld [smem:$0x3FB5]  }
0x2e: {  	s3 =	simm.s32 @!p0 $0x1082;
	s9 =	sld [smem:$0x3FB6]  }
0x2f: {  	lr =	sadd.s32 s0, s3;
	s0 =	sld [smem:$0x3FAD]  }
0x30: {  	s3 =	sld [smem:$0x3FB0]  }
0x31: {  	[smem:$0x3FB9] =	sst s10  }
0x32: {  	s10 =	sld [smem:$0x3FB7];
	_ =	sdelay $0x3  }
0x33: {  	p0 =	seq.s32 s10, $0x1;
	s10 =	sld [smem:$0x3FB9];
	_ =	sdelay $0x3  }
0x34: {  	[smem:$0x3FB9] =	sst s10  }
0x35: {  	s10 =	sld [smem:$0x3FB8];
	_ =	sdelay $0x3  }
0x36: {  	p1 =	seq.s32 s10, $0x1;
	s10 =	sld [smem:$0x3FB9];
	_ =	sdelay $0x3  }
0x37: {  	[smem:$0x3FB9] =	sst s10  }
0x38: {  	s10 =	sld [smem:$0x3FBA]  }
0x39: {  	_ = 	snop;
	(pc) =	sbr.ind lr, $3  }
0x3a: {  	_ = 	snop  }
0x3b: {  	_ = 	snop  }
0x3c: {  	p2 =	seq.s32 s10, $0x1;
	s10 =	sld [smem:$0x3FB9]  }
0x3d: {  	_ =	shalt  }
0x3e: {  	_ =	shalt  }
0x3f: {  	_ =	shalt  }
0x40: {  	_ =	shalt  }
0x41: {  	_ =	shalt  }
0x42: {  	_ =	shalt  }
0x43: {  	_ =	shalt  }
0x44: {  	_ =	shalt  }
0x45: {  	_ =	shalt  }
0x46: {  	_ =	shalt  }
0x47: {  	_ =	shalt  }
0x48: {  	_ =	shalt  }
0x49: {  	_ =	shalt  }
0x4a: {  	_ =	shalt  }
0x4b: {  	_ =	shalt  }
0x4c: {  	_ =	shalt  }
0x4d: {  	_ =	shalt  }
0x4e: {  	_ =	shalt  }
0x4f: {  	_ =	shalt  }
0x50: {  	_ =	shalt  }
0x51: {  	_ =	shalt  }
0x52: {  	_ =	shalt  }
0x53: {  	_ =	shalt  }
0x54: {  	_ =	shalt  }
0x55: {  	_ =	shalt  }
0x56: {  	_ =	shalt  }
0x57: {  	_ =	shalt  }
0x58: {  	_ =	shalt  }
0x59: {  	_ =	shalt  }
0x5a: {  	_ =	shalt  }
0x5b: {  	_ =	shalt  }
0x5c: {  	_ =	shalt  }
0x5d: {  	_ =	shalt  }
0x5e: {  	_ =	shalt  }
0x5f: {  	_ =	shalt  }
0x60: {  	_ =	shalt  }
0x61: {  	_ =	shalt  }
0x62: {  	_ =	shalt  }
0x63: {  	_ =	shalt  }
0x64: {  	_ =	shalt  }
0x65: {  	_ =	shalt  }
0x66: {  	_ =	shalt  }
0x67: {  	_ =	shalt  }
0x68: {  	_ =	shalt  }
0x69: {  	_ =	shalt  }
0x6a: {  	_ =	shalt  }
0x6b: {  	_ =	shalt  }
0x6c: {  	_ =	shalt  }
0x6d: {  	_ =	shalt  }
0x6e: {  	_ =	shalt  }
0x6f: {  	_ =	shalt  }
0x70: {  	_ =	shalt  }
0x71: {  	_ =	shalt  }
0x72: {  	_ =	shalt  }
0x73: {  	_ =	shalt  }
0x74: {  	_ =	shalt  }
0x75: {  	_ =	shalt  }
0x76: {  	_ =	shalt  }
0x77: {  	_ =	shalt  }
0x78: {  	_ =	shalt  }
0x79: {  	_ =	shalt  }
0x7a: {  	_ =	shalt  }
0x7b: {  	_ =	shalt  }
0x7c: {  	_ =	shalt  }
0x7d: {  	_ =	shalt  }
0x7e: {  	_ =	shalt  }
0x7f: {  	_ =	shalt  }
0x80: {  	_ =	shalt  }
0x81: {  	_ =	shalt  }
0x82: {  	_ =	shalt  }
0x83: {  	_ =	shalt  }
0x84: {  	_ =	shalt  }
0x85: {  	_ =	shalt  }
0x86: {  	_ =	shalt  }
0x87: {  	_ =	shalt  }
.Lfunc_end0:
.L_simem_size_0:
called_computation.1_lowered:
.L_overlay_start_0:
0x88: {  	s2 =	sld [smem:$0x3FD9]  }
0x89: {  	s3 =	sld [smem:$0x3FFE];
	_ =	sdelay $0x1  }
0x8a: {  	s1 =	srdreg.scid  }
0x8b: {  	s0 =	sand.u32 $0x1, s1  }
0x8c: {  	s17 =	sshll.u32 s0, $0xA;
	s2 =	sadd.s32 s3, s2  }
0x8d: {  	s2 =	sadd.s32 s2, s17  }
0x8e: {  	[smem:$0x3FC5] =	sst s2  }
0x8f: {  	_ = 	snop  }
0x90: {  	s2 =	sld [smem:$0x3FD0];
	(tm) =	ssettm $0x1  }
0x91: {  	s18 =	sld [smem:$0x3FFB];
	_ =	sdelay $0x3  }
0x92: {  	_ =	strace s18  }
0x93: {  	s3 =	sld [smem:$0x3FFC];
	_ =	sdelay $0x3  }
0x94: {  	_ =	strace s3  }
0x95: {  	s3 =	sld [smem:$0x3FFD];
	_ =	sdelay $0x3  }
0x96: {  	_ =	strace s3  }
0x97: {  	_ =	strace $0x8FFFFFFF  }
0x98: {  	s19 =	sld [smem:$0x3FDB];
	_ =	sdelay $0x1  }
0x99: {  	s4 =	simm.s32 $_scs_section_size  }
0x9a: {  	s5 =	simm.s32 $_size__tile_overlayer_lowered;
	s6 =	simm.s32 $_tile_overlayer_lowered  }
0x9b: {  	s22 =	simm.s32 $0x1BFF;
	s21 =	sshll.u32 s6, $0x1;
	s3 =	sadd.s32 s4, s19  }
0x9c: {  	s7 =	simm.s32 $0x0;
	s20 =	sshll.u32 s5, $0x1;
	s5 =	sadd.s32 s21, s3  }
0x9d: {  	[timem:s7], [sflag:s22] =	dma.local [hbm:s5], s20  }
0x9e: {  	_ =	swait.ge [sflag:s22], s20  }
0x9f: {  	s4 =	ssub.s32 $0x0, s20;
	[sflag:s22] =	ssyncset.done $0x0  }
0xa0: {  	[sflag:s22] =	ssyncadd.s32 s4;
	_ =	sdelay $0x1  }
0xa1: {  	s23 =	simm.s32 $0x1B8B  }
0xa2: {  	_ =	swait.ge [sflag:s23], $0x1  }
0xa3: {  	[sflag:s23] =	ssyncset.done $0x0  }
0xa4: {  	s25 =	simm.s32 $0x1B8E;
	s24 =	sld [smem:$0x3FFE];
	[sflag:s23] =	ssyncadd.s32 $0xFFFFFFFF  }
0xa5: {  	s26 =	simm.s32 $execute0_lowered;
	[smem:$0x3FD2] =	sst s25  }
0xa6: {  	s5 =	sshll.u32 s26, $0x1;
	_ =	strace $0x80000046;
	[dreg:$0x1] =	wrdreg $0xFFFFFFFF  }
0xa7: {  	s28 =	simm.s32 $_size_execute0_lowered;
	s3 =	sadd.s32 s3, s5;
	[dreg:$0x0] =	wrdreg $0x0  }
0xa8: {  	s5 =	sshll.u32 s28, $0x1;
	[dreg:$0x2] =	wrdreg s3  }
0xa9: {  	[dreg:$0x3] =	wrdreg s5  }
0xaa: {  	[dreg:$0x4] =	wrdreg $0xC0  }
0xab: {  	_ =	task [dreg:s7], $0x5FFFF  }
0xac: {  	[dreg:$0x1] =	wrdreg $0xFFFFFFFF  }
0xad: {  	[dreg:$0x0] =	wrdreg $0x60  }
0xae: {  	[dreg:$0x2] =	wrdreg s24  }
0xaf: {  	[dreg:$0x3] =	wrdreg s2  }
0xb0: {  	[dreg:$0x4] =	wrdreg $0x9  }
0xb1: {  	_ =	task.clear_ibuf [dreg:s7], $0x5FFFF;
	_ =	strace $0x90000046  }
0xb2: {  	s29 =	simm.s32 $0x9;
	_ =	strace $0x80000048  }
0xb3: {  	_ =	swait.ge [sflag:s29], $0x1  }
0xb4: {  	[sflag:s29] =	ssyncadd.s32 $0xFFFFFFFF  }
0xb5: {  	_ =	strace $0x90000048  }
0xb6: {  	_ =	sfence  }
0xb7: {  	s30 =	sld [smem:$0x0];
	_ =	sdelay $0x2  }
0xb8: {  	s31 =	sshll.u32 s1, $0xD;
	s1 =	sshrl.u32 s1, $0x2  }
0xb9: {  	s3 =	sand.u32 $0x4000, s31;
	s1 =	sadd.s32 s1, s30  }
0xba: {  	s0 =	sor.u32 s3, s0;
	s1 =	sshll.u32 s1, $0x11  }
0xbb: {  	s0 =	sor.u32 s1, s0  }
0xbc: {  	s0 =	sadd.s32 $0x8F2B, s0  }
0xbd: {  	[sflag:s0] =	ssyncadd.remote.s32 $0x1  }
0xbe: {  	_ =	sfence.sel $0xFFFF  }
0xbf: {  	[dreg:$0x0] =	wrdreg $0xFFFFFFFF;
	(pc) =	sbr.abs _section_cstart, $3  }
0xc0: {  	[dreg:$0x1] =	wrdreg $0xFFFFFFFF  }
0xc1: {  	_ =	task.clear_ibuf [dreg:s7], $0x2FFFF;
	_ =	strace $0x9FFFFFFF  }
0xc2: {  	(tm) =	ssettm $0x7FFFFFFF  }
0xc3: {  	_ =	shalt  }
tec
execute0_lowered:
.L_overlay_start_1:
0x0: {  	(tag) =	ssettag $0x1  }
0x1: {  	s0 =	srdreg.scid;
	s6 =	rddreg [dreg:$0x0]  }
0x2: {  	s1 =	stileid.u32;
	s2 =	rddreg [dreg:$0x1];
	s4 =	simm.s32 $0x0  }
0x3: {  	s9 =	simm.s32 $0x5;
	s10 =	simm.s32 $0x3200;
	s11 =	simm.s32 $0x50  }
0x4: {  	s12 =	simm.s32 $0x9600;
	s17 =	simm.s32 $0x32F0;
	s18 =	simm.s32 $0xD200  }
0x5: {  	s19 =	simm.s32 $0x3340;
	s20 =	simm.s32 $0xE600;
	s21 =	simm.s32 $0x1  }
0x6: {  	s22 =	simm.s32 $0xFA00;
	s23 =	simm.s32 $0x10E00;
	s24 =	simm.s32 $0x12200  }
0x7: {  	s25 =	simm.s32 $0x13600;
	s0 =	sand.u32 $0x1, s0;
	s1 =	sshll.u32 s1, $0x1  }
0x8: {  	s26 =	simm.s32 $0x14A00;
	s28 =	simm.s32 $0x2;
	s1 =	sor.u32 s0, s1  }
0x9: {  	s29 =	simm.s32 $0x3;
	s30 =	simm.s32 $0x4;
	s3 =	smul.u32 $0x6400, s1  }
0xa: {  	s31 =	simm.s32 $0x0;
	[smem:$0x7FF] =	sst s4;
	s0 =	ssub.s32 $0x2, s0  }
0xb: {  	s5 =	sadd.s32 $0xF43000, s6;
	s7 =	sshrl.u32 s0, $0x1;
	s1 =	sshrl.u32 s3, $0x3  }
0xc: {  	_ =	strace $0x80000047;
	s0 =	ssub.s32 s0, s7;
	s1 =	sadd.s32 s1, s6  }
0xd: {  	s8 =	smax.u32 s0, $0x1;
	s6 =	sadd.s32 $0x19C00, s6;
	s7 =	sadd.s32 $0xC00, s1  }
.LBB2_1:
0xe: {  	[tilespmem:s4], [sflag:$0x5] =	stream.linear.gather [hbm4b:s6+s4], $0x3200, $0x38;
	[tilespmem:$0x15E00] =	vst v63  }
0xf: {  	_ =	swait.ge [sflag:s9], $0x3200  }
0x10: {  	[sflag:s9] =	ssyncset.done $0x0  }
0x11: {  	[sflag:s9] =	ssyncadd.s32 $0xFFFFCE00  }
0x12: {  	[tilespmem:s10], [sflag:$0x5] =	stream.linear.gather [hbm4b:s7+s4], $0x6400, $0x38;
	[tilespmem:$0x15E00] =	vst v63  }
0x13: {  	_ =	swait.ge [sflag:s9], $0x6400  }
0x14: {  	[sflag:s9] =	ssyncset.done $0x0  }
0x15: {  	[sflag:s9] =	ssyncadd.s32 $0xFFFF9C00  }
0x16: {  	[tilespmem:s12], [sflag:$0x1] =	stream.indirect.gather [hbm4b:s5+s11], $0x40, s10, s11, $0xb8;
	[tilespmem:$0x15E00] =	vst v63  }
0x17: {  	s0 =	simm.s32 $0x3250;
	s1 =	simm.s32 $0xAA00  }
0x18: {  	[tilespmem:s1], [sflag:$0x1] =	stream.indirect.gather [hbm4b:s5+s11], $0x40, s0, s11, $0xb8;
	[tilespmem:$0x15E00] =	vst v63  }
0x19: {  	s15 =	simm.s32 $0x32A0;
	s16 =	simm.s32 $0xBE00  }
0x1a: {  	[tilespmem:s16], [sflag:$0x1] =	stream.indirect.gather [hbm4b:s5+s11], $0x40, s15, s11, $0xb8;
	[tilespmem:$0x15E00] =	vst v63  }
0x1b: {  	_ = 	snop  }
0x1c: {  	[tilespmem:s18], [sflag:$0x1] =	stream.indirect.gather [hbm4b:s5+s11], $0x40, s17, s11, $0xb8;
	[tilespmem:$0x15E00] =	vst v63  }
0x1d: {  	s1 =	simm.s32 $0x0  }
0x1e: {  	[tilespmem:s20], [sflag:$0x1] =	stream.indirect.gather [hbm4b:s5+s11], $0x40, s19, s11, $0xb8;
	[tilespmem:$0x15E00] =	vst v63  }
.LBB2_2:
0x1f: {  	_ =	swait.ge [sflag:s21], $0x6400  }
0x20: {  	p0 =	seq.s32 s1, $0x0;
	[sflag:s21] =	ssyncset.done $0x0  }
0x21: {  	s0 =	simm.s32 @!p0 $0x4;
	[sflag:s21] =	ssyncadd.s32 $0xFFFF9C00  }
0x22: {  	s13 =	smul.u32 $0x320, s1;
	_ =	swait.ge @!p0 [sflag:s0], $0x6400  }
0x23: {  	[sflag:s0] =	ssyncset.done @!p0 $0x0  }
0x24: {  	s15 =	sadd.s32 $0x3390, s13;
	[sflag:s0] =	ssyncadd.s32 @!p0 $0xFFFF9C00  }
0x25: {  	[tilespmem:s22], [sflag:$0x2] =	stream.indirect.gather [hbm4b:s5+s11], $0x40, s15, s11, $0xb8;
	[tilespmem:$0x15E00] =	vst v63  }
0x26: {  	s16 =	sadd.s32 $0x33E0, s13  }
0x27: {  	[tilespmem:s23], [sflag:$0x2] =	stream.indirect.gather [hbm4b:s5+s11], $0x40, s16, s11, $0xb8;
	[tilespmem:$0x15E00] =	vst v63  }
0x28: {  	s14 =	sadd.s32 $0x3430, s13  }
0x29: {  	[tilespmem:s24], [sflag:$0x2] =	stream.indirect.gather [hbm4b:s5+s11], $0x40, s14, s11, $0xb8;
	[tilespmem:$0x15E00] =	vst v63  }
0x2a: {  	s15 =	sadd.s32 $0x3480, s13  }
0x2b: {  	[tilespmem:s25], [sflag:$0x2] =	stream.indirect.gather [hbm4b:s5+s11], $0x40, s15, s11, $0xb8;
	[tilespmem:$0x15E00] =	vst v63  }
0x2c: {  	s16 =	sadd.s32 $0x34D0, s13;
	s14 =	simm.s32 $0x0  }
0x2d: {  	[tilespmem:s26], [sflag:$0x2] =	stream.indirect.gather [hbm4b:s5+s11], $0x40, s16, s11, $0xb8;
	[tilespmem:$0x15E00] =	vst v63  }
0x2e: {  	v5 =	vld [tilespmem:s14+$0x0]  }
0x2f: {  	v1 =	vld [tilespmem:s14+$0x10]  }
0x30: {  	v0 =	vld [tilespmem:s14+$0x20]  }
0x31: {  	v2 =	vld [tilespmem:s14+$0x30]  }
0x32: {  	v8 =	vld [tilespmem:s14+$0x9600]  }
0x33: {  	v10 =	vld [tilespmem:s14+$0xC800]  }
0x34: {  	v7 =	vld [tilespmem:s14+$0x9610]  }
0x35: {  	v6 =	vld [tilespmem:s14+$0xC810]  }
0x36: {  	v3 =	vld [tilespmem:s14+$0x9620]  }
0x37: {  	v4 =	vld [tilespmem:s14+$0xC820];
	v9 =	vadd.f32 v8, v5  }
0x38: {  	s0 =	sadd.s32 $0x190, s13;
	s15 =	simm.s32 $0x100;
	v8 =	vadd.f32 v10, v5;
	v5 =	vld [tilespmem:s14+$0x9630]  }
.LBB2_3:
0x39: {  	s16 =	sshra.s32 s15, $0x2;
	p0 =	sne.s32 s15, $0xC700;
	[tilespmem:s14+$0x9600] =	vst v9;
	v7 =	vadd.f32 v7, v1;
	v9 =	vld [tilespmem:s14+$0xC830]  }
0x3a: {  	v10 =	vld [tilespmem:s16+$0x0];
	[tilespmem:s14+$0xC800] =	vst v8;
	v6 =	vadd.f32 v6, v1  }
0x3b: {  	v1 =	vld [tilespmem:s16+$0x10];
	[tilespmem:s14+$0x9610] =	vst v7;
	v3 =	vadd.f32 v3, v0  }
0x3c: {  	[tilespmem:s14+$0xC810] =	vst v6;
	v4 =	vadd.f32 v4, v0;
	v0 =	vld [tilespmem:s16+$0x20]  }
0x3d: {  	v8 =	vld [tilespmem:s16+$0x30];
	[tilespmem:s14+$0x9620] =	vst v3;
	v3 =	vadd.f32 v5, v2  }
0x3e: {  	v5 =	vld [tilespmem:s16+$0x9600];
	[tilespmem:s14+$0xC820] =	vst v4;
	v2 =	vadd.f32 v9, v2  }
0x3f: {  	v11 =	vld [tilespmem:s16+$0xC800];
	[tilespmem:s14+$0x9630] =	vst v3  }
.Ltmp0:
0x40: {  	v7 =	vld [tilespmem:s16+$0x9610];
	[tilespmem:s14+$0xC830] =	vst v2;
	s14 =	smov.u32 s16;
	(pc) =	sbr.rel @p0 .LBB2_3-.Ltmp0, $4  }
0x41: {  	v6 =	vld [tilespmem:s14+$0xC810]  }
0x42: {  	v3 =	vld [tilespmem:s14+$0x9620];
	v2 =	vmov v8  }
0x43: {  	v9 =	vadd.f32 v5, v10;
	v4 =	vld [tilespmem:s14+$0xC820]  }
0x44: {  	s15 =	sadd.s32 $0x100, s15;
	v8 =	vadd.f32 v11, v10;
	v5 =	vld [tilespmem:s14+$0x9630]  }
0x45: {  	[tilespmem:s14+$0x9600] =	vst v9;
	v7 =	vadd.f32 v7, v1;
	v9 =	vld [tilespmem:s14+$0xC830]  }
0x46: {  	[tilespmem:s14+$0xC800] =	vst v8;
	v1 =	vadd.f32 v6, v1  }
0x47: {  	[tilespmem:s14+$0x9610] =	vst v7;
	v3 =	vadd.f32 v3, v0  }
0x48: {  	[tilespmem:s14+$0xC810] =	vst v1;
	v0 =	vadd.f32 v4, v0  }
0x49: {  	[tilespmem:s14+$0x9620] =	vst v3;
	v1 =	vadd.f32 v5, v2  }
0x4a: {  	s15 =	sadd.s32 s3, s13;
	[tilespmem:s14+$0xC820] =	vst v0;
	v0 =	vadd.f32 v9, v2  }
0x4b: {  	s15 =	sshll.u32 s15, $0x3;
	[tilespmem:s14+$0x9630] =	vst v1  }
0x4c: {  	s16 =	sadd.s32 s2, s15;
	[tilespmem:s14+$0xC830] =	vst v0  }
0x4d: {  	[hbm4b:s16+s4] =	stream.linear.scatter [tilespmem:s12], [sflag:$0x3], $0x6400, $0x38;
	[tilespmem:$0x15E00] =	vst v63  }
0x4e: {  	_ =	swait.ge [sflag:s28], $0x6400  }
0x4f: {  	p0 =	seq.s32 s1, $0x1F;
	[sflag:s28] =	ssyncset.done $0x0  }
0x50: {  	s14 =	simm.s32 @!p0 $0x3;
	[sflag:s28] =	ssyncadd.s32 $0xFFFF9C00  }
0x51: {  	_ =	swait.ge @!p0 [sflag:s14], $0x6400  }
0x52: {  	s15 =	simm.s32 @!p0 $0x50;
	[sflag:s14] =	ssyncset.done @!p0 $0x0  }
0x53: {  	s16 =	simm.s32 @!p0 $0x9600;
	[sflag:s14] =	ssyncadd.s32 @!p0 $0xFFFF9C00;
	s14 =	sadd.s32 @!p0 $0x3520, s13  }
0x54: {  	[tilespmem:s16], [sflag:$0x1] =	stream.indirect.gather @!p0 [hbm4b:s5+s15], $0x40, s14, s15, $0xb8;
	[tilespmem:$0x15E00] =	vst v63  }
0x55: {  	s14 =	sadd.s32 @!p0 $0x3570, s13;
	s16 =	simm.s32 @!p0 $0xAA00  }
0x56: {  	[tilespmem:s16], [sflag:$0x1] =	stream.indirect.gather @!p0 [hbm4b:s5+s15], $0x40, s14, s15, $0xb8;
	[tilespmem:$0x15E00] =	vst v63  }
0x57: {  	s14 =	sadd.s32 @!p0 $0x35C0, s13;
	s16 =	simm.s32 @!p0 $0xBE00  }
0x58: {  	[tilespmem:s16], [sflag:$0x1] =	stream.indirect.gather @!p0 [hbm4b:s5+s15], $0x40, s14, s15, $0xb8;
	[tilespmem:$0x15E00] =	vst v63  }
0x59: {  	s14 =	sadd.s32 @!p0 $0x3610, s13;
	s16 =	simm.s32 @!p0 $0xD200  }
0x5a: {  	[tilespmem:s16], [sflag:$0x1] =	stream.indirect.gather @!p0 [hbm4b:s5+s15], $0x40, s14, s15, $0xb8;
	[tilespmem:$0x15E00] =	vst v63  }
0x5b: {  	s13 =	sadd.s32 @!p0 $0x3660, s13;
	s14 =	simm.s32 @!p0 $0xE600  }
0x5c: {  	[tilespmem:s14], [sflag:$0x1] =	stream.indirect.gather @!p0 [hbm4b:s5+s15], $0x40, s13, s15, $0xb8;
	[tilespmem:$0x15E00] =	vst v63  }
0x5d: {  	s13 =	simm.s32 $0x0  }
0x5e: {  	v3 =	vld [tilespmem:s13+$0x0]  }
0x5f: {  	v1 =	vld [tilespmem:s13+$0x10]  }
0x60: {  	v0 =	vld [tilespmem:s13+$0x20]  }
0x61: {  	v2 =	vld [tilespmem:s13+$0x30]  }
0x62: {  	v8 =	vld [tilespmem:s13+$0xFA00]  }
0x63: {  	v10 =	vld [tilespmem:s13+$0x12C00]  }
0x64: {  	v7 =	vld [tilespmem:s13+$0xFA10]  }
0x65: {  	v6 =	vld [tilespmem:s13+$0x12C10]  }
0x66: {  	v4 =	vld [tilespmem:s13+$0xFA20]  }
0x67: {  	v5 =	vld [tilespmem:s13+$0x12C20];
	v9 =	vadd.f32 v8, v3  }
0x68: {  	s14 =	simm.s32 $0x100;
	v8 =	vadd.f32 v10, v3;
	v3 =	vld [tilespmem:s13+$0xFA30]  }
.LBB2_5:
0x69: {  	s15 =	sshra.s32 s14, $0x2;
	p0 =	sne.s32 s14, $0xC700;
	[tilespmem:s13+$0xFA00] =	vst v9;
	v7 =	vadd.f32 v7, v1;
	v9 =	vld [tilespmem:s13+$0x12C30]  }
0x6a: {  	v10 =	vld [tilespmem:s15+$0x0];
	[tilespmem:s13+$0x12C00] =	vst v8;
	v6 =	vadd.f32 v6, v1  }
0x6b: {  	v1 =	vld [tilespmem:s15+$0x10];
	[tilespmem:s13+$0xFA10] =	vst v7;
	v4 =	vadd.f32 v4, v0  }
0x6c: {  	[tilespmem:s13+$0x12C10] =	vst v6;
	v5 =	vadd.f32 v5, v0;
	v0 =	vld [tilespmem:s15+$0x20]  }
0x6d: {  	v8 =	vld [tilespmem:s15+$0x30];
	[tilespmem:s13+$0xFA20] =	vst v4;
	v3 =	vadd.f32 v3, v2  }
0x6e: {  	v11 =	vld [tilespmem:s15+$0xFA00];
	[tilespmem:s13+$0x12C20] =	vst v5;
	v2 =	vadd.f32 v9, v2  }
0x6f: {  	v12 =	vld [tilespmem:s15+$0x12C00];
	[tilespmem:s13+$0xFA30] =	vst v3  }
.Ltmp1:
0x70: {  	v7 =	vld [tilespmem:s15+$0xFA10];
	[tilespmem:s13+$0x12C30] =	vst v2;
	s13 =	smov.u32 s15;
	(pc) =	sbr.rel @p0 .LBB2_5-.Ltmp1, $4  }
0x71: {  	v6 =	vld [tilespmem:s13+$0x12C10]  }
0x72: {  	v4 =	vld [tilespmem:s13+$0xFA20];
	v2 =	vmov v8  }
0x73: {  	v9 =	vadd.f32 v11, v10;
	v5 =	vld [tilespmem:s13+$0x12C20]  }
0x74: {  	s14 =	sadd.s32 $0x100, s14;
	v8 =	vadd.f32 v12, v10;
	v3 =	vld [tilespmem:s13+$0xFA30]  }
0x75: {  	[tilespmem:s13+$0xFA00] =	vst v9;
	v7 =	vadd.f32 v7, v1;
	v59 =	vld [tilespmem:s13+$0x12C30]  }
0x76: {  	[tilespmem:s13+$0x12C00] =	vst v8;
	v60 =	vadd.f32 v6, v1  }
0x77: {  	s1 =	sadd.s32 $0x1, s1;
	[tilespmem:s13+$0xFA10] =	vst v7;
	v4 =	vadd.f32 v4, v0  }
0x78: {  	p0 =	sne.s32 s1, $0x20;
	[tilespmem:s13+$0x12C10] =	vst v60;
	v61 =	vadd.f32 v5, v0  }
.Ltmp2:
0x79: {  	s0 =	sadd.s32 s3, s0;
	[tilespmem:s13+$0xFA20] =	vst v4;
	v62 =	vadd.f32 v3, v2;
	(pc) =	sbr.rel @p0 .LBB2_2-.Ltmp2, $4  }
0x7a: {  	s0 =	sshll.u32 s0, $0x3;
	[tilespmem:s13+$0x12C20] =	vst v61;
	v63 =	vadd.f32 v59, v2  }
0x7b: {  	s0 =	sand.u32 $0x1FFFFF80, s0;
	[tilespmem:s13+$0xFA30] =	vst v62  }
0x7c: {  	s0 =	sadd.s32 s2, s0;
	[tilespmem:s13+$0x12C30] =	vst v63  }
0x7d: {  	[hbm4b:s0+s4] =	stream.linear.scatter [tilespmem:s22], [sflag:$0x4], $0x6400, $0x38;
	[tilespmem:$0x15E00] =	vst v63  }
0x7e: {  	s31 =	sadd.s32 $0x1, s31  }
0x7f: {  	_ =	swait.ge [sflag:s29], $0x6400;
	p0 =	sne.s32 s31, s8  }
.Ltmp3:
0x80: {  	[sflag:s29] =	ssyncset.done $0x0;
	(pc) =	sbr.rel @p0 .LBB2_1-.Ltmp3, $4  }
0x81: {  	[sflag:s29] =	ssyncadd.s32 $0xFFFF9C00  }
0x82: {  	_ =	swait.ge [sflag:s30], $0x6400  }
0x83: {  	[sflag:s30] =	ssyncset.done $0x0  }
0x84: {  	[sflag:s30] =	ssyncadd.s32 $0xFFFF9C00  }
0x85: {  	_ =	sfence.sel $0x180000  }
0x86: {  	[bflag:$0x0] =	sbarrier.arrive $0xFFFF  }
0x87: {  	_ =	strace $0x90000047  }
0x88: {  	s0 =	stileid.u32;
	[bflag:$0x2] =	sbarrier.arrive $0xFFFF  }
0x89: {  	p0 =	sne.s32 s0, $0x0;
	s0 =	rddreg [dreg:$0x2]  }
0x8a: {  	s0 =	sadd.s32 @!p0 $0x100000, s0  }
0x8b: {  	[sflag:s0] =	ssyncadd.tile.s32 @!p0 $0x1;
	_ =	shalt  }
.Lfunc_end2:
_tile_overlayer_lowered:
.L_overlay_start_2:
0x8c: {  	(tag) =	ssettag $0x2  }
0x8d: {  	s0 =	rddreg [dreg:$0x0];
	s2 =	stileid.u32  }
0x8e: {  	s1 =	rddreg [dreg:$0x1];
	p0 =	sne.s32 s2, $0x0  }
0x8f: {  	s3 =	rddreg [dreg:$0x2];
	[bflag:$0x3] =	sbarrier.arrive $0xFFFF;
	s2 =	simm.s32 @!p0 $0x1C05  }
0x90: {  	[timem:s3], [sflag:s2] =	dma.local @!p0 [hbm:s0], s1  }
0x91: {  	s0 =	simm.s32 @!p0 $0x5  }
0x92: {  	_ =	swait.ge @!p0 [sflag:s0], s1  }
0x93: {  	s1 =	ssub.s32 @!p0 $0x0, s1;
	[sflag:s0] =	ssyncset.done @!p0 $0x0  }
0x94: {  	[sflag:s0] =	ssyncadd.s32 @!p0 s1  }
0x95: {  	[bflag:$0x3] =	sbarrier.arrive $0xFFFF  }
0x96: {  	_ =	shalt  }

// kernel: sparse-core-data-format-call.cloned.1.call-start
scs
called_computation_lowered:
.L_overlay_start_0:
0x0: {  	s2 =	sld [smem:$0x3FD9]  }
0x1: {  	s3 =	sld [smem:$0x3FFE];
	_ =	sdelay $0x1  }
0x2: {  	s1 =	srdreg.scid  }
0x3: {  	s0 =	sand.u32 $0x1, s1  }
0x4: {  	s18 =	sshll.u32 s0, $0xA;
	s2 =	sadd.s32 s3, s2  }
0x5: {  	s2 =	sadd.s32 s2, s18  }
0x6: {  	[smem:$0x3FC5] =	sst s2  }
0x7: {  	_ = 	snop  }
0x8: {  	s2 =	sld [smem:$0x3FD0];
	(tm) =	ssettm $0x1  }
0x9: {  	s19 =	sld [smem:$0x3FFB];
	_ =	sdelay $0x3  }
0xa: {  	_ =	strace s19  }
0xb: {  	s3 =	sld [smem:$0x3FFC];
	_ =	sdelay $0x3  }
0xc: {  	_ =	strace s3  }
0xd: {  	s3 =	sld [smem:$0x3FFD];
	_ =	sdelay $0x3  }
0xe: {  	_ =	strace s3  }
0xf: {  	_ =	strace $0x8FFFFFFF  }
0x10: {  	s20 =	sld [smem:$0x3FDB];
	_ =	sdelay $0x1  }
0x11: {  	s4 =	simm.s32 $_scs_section_size  }
0x12: {  	s5 =	simm.s32 $_size__tile_overlayer_lowered;
	s6 =	simm.s32 $_tile_overlayer_lowered  }
0x13: {  	s23 =	simm.s32 $0x1BFF;
	s22 =	sshll.u32 s6, $0x1;
	s3 =	sadd.s32 s4, s20  }
0x14: {  	s7 =	simm.s32 $0x0;
	s21 =	sshll.u32 s5, $0x1;
	s5 =	sadd.s32 s22, s3  }
0x15: {  	[timem:s7], [sflag:s23] =	dma.local [hbm:s5], s21  }
0x16: {  	_ =	swait.ge [sflag:s23], s21  }
0x17: {  	s4 =	ssub.s32 $0x0, s21;
	[sflag:s23] =	ssyncset.done $0x0  }
0x18: {  	[sflag:s23] =	ssyncadd.s32 s4;
	_ =	sdelay $0x1  }
0x19: {  	s24 =	simm.s32 $0x1B8B  }
0x1a: {  	_ =	swait.ge [sflag:s24], $0x1  }
0x1b: {  	[sflag:s24] =	ssyncset.done $0x0  }
0x1c: {  	s26 =	simm.s32 $0x1B8E;
	s25 =	sld [smem:$0x3FFE];
	[sflag:s24] =	ssyncadd.s32 $0xFFFFFFFF  }
0x1d: {  	s27 =	simm.s32 $execute0_lowered;
	[smem:$0x3FD2] =	sst s26  }
0x1e: {  	s5 =	sshll.u32 s27, $0x1;
	_ =	strace $0x80000049;
	[dreg:$0x1] =	wrdreg $0xFFFFFFFF  }
0x1f: {  	s28 =	simm.s32 $_size_execute0_lowered;
	s3 =	sadd.s32 s3, s5;
	[dreg:$0x0] =	wrdreg $0x0  }
0x20: {  	s5 =	sshll.u32 s28, $0x1;
	[dreg:$0x2] =	wrdreg s3  }
0x21: {  	[dreg:$0x3] =	wrdreg s5  }
0x22: {  	[dreg:$0x4] =	wrdreg $0xC0  }
0x23: {  	_ =	task [dreg:s7], $0x5FFFF  }
0x24: {  	[dreg:$0x1] =	wrdreg $0xFFFFFFFF  }
0x25: {  	[dreg:$0x0] =	wrdreg $0x60  }
0x26: {  	[dreg:$0x2] =	wrdreg s25  }
0x27: {  	[dreg:$0x3] =	wrdreg s2  }
0x28: {  	[dreg:$0x4] =	wrdreg $0x9  }
0x29: {  	_ =	task.clear_ibuf [dreg:s7], $0x5FFFF;
	_ =	strace $0x90000049  }
0x2a: {  	s29 =	simm.s32 $0x9;
	_ =	strace $0x8000004B  }
0x2b: {  	_ =	swait.ge [sflag:s29], $0x1  }
0x2c: {  	[sflag:s29] =	ssyncadd.s32 $0xFFFFFFFF  }
0x2d: {  	_ =	strace $0x9000004B  }
0x2e: {  	_ =	sfence  }
0x2f: {  	s30 =	sld [smem:$0x0];
	_ =	sdelay $0x2  }
0x30: {  	s31 =	sshll.u32 s1, $0xD;
	s1 =	sshrl.u32 s1, $0x2  }
0x31: {  	s3 =	sand.u32 $0x4000, s31;
	s1 =	sadd.s32 s1, s30  }
0x32: {  	s0 =	sor.u32 s3, s0;
	s1 =	sshll.u32 s1, $0x11  }
0x33: {  	s0 =	sor.u32 s1, s0  }
0x34: {  	s0 =	sadd.s32 $0x8F2B, s0  }
0x35: {  	[sflag:s0] =	ssyncadd.remote.s32 $0x1  }
0x36: {  	_ =	sfence.sel $0xFFFF  }
0x37: {  	[dreg:$0x0] =	wrdreg $0xFFFFFFFF;
	(pc) =	sbr.abs _section_cstart, $3  }
0x38: {  	[dreg:$0x1] =	wrdreg $0xFFFFFFFF  }
0x39: {  	_ =	task.clear_ibuf [dreg:s7], $0x2FFFF;
	_ =	strace $0x9FFFFFFF  }
0x3a: {  	(tm) =	ssettm $0x7FFFFFFF  }
0x3b: {  	_ =	shalt  }
tec
execute0_lowered:
.L_overlay_start_1:
0x0: {  	(tag) =	ssettag $0x1  }
0x1: {  	s0 =	srdreg.scid  }
0x2: {  	s1 =	sshll.u32 s0, $0x4  }
0x3: {  	s0 =	stileid.u32;
	s1 =	sand.u32 $0x10, s1  }
0x4: {  	s1 =	sor.u32 s0, s1  }
0x5: {  	s6 =	rddreg [dreg:$0x0];
	s4 =	simm.s32 $0x1;
	s2 =	sshll.u32 s1, $0x7  }
0x6: {  	s7 =	simm.s32 $0x2;
	s12 =	simm.s32 $0x0;
	s1 =	ssub.s32 $0x1000, s2  }
0x7: {  	s8 =	simm.s32 $0x8000;
	s13 =	simm.s32 $0x0;
	s3 =	sand.u32 $0xF80, s1  }
0x8: {  	s9 =	simm.s32 $0x0;
	s5 =	sshrl.u32 s1, $0xC;
	p0 =	sne.s32 s3, $0x0  }
.Ltmp0:
0x9: {  	s1 =	rddreg [dreg:$0x2];
	s4 =	simm.s32 @!p0 $0x0;
	(pc) =	sbr.rel .LBB1_1-.Ltmp0, $4  }
0xa: {  	s11 =	simm.s32 $0x0;
	s3 =	rddreg [dreg:$0x1];
	s5 =	sadd.s32 s4, s5  }
0xb: {  	_ =	strace $0x8000004A;
	s4 =	simm.s32 $0x1;
	s5 =	smul.u32 $0xC8, s5  }
0xc: {  	s6 =	sadd.s32 $0xC00, s6;
	s10 =	smov.u32 s2;
	[sflag:s4] =	ssyncpa.u1 $0x0  }
0xd: {  	p0 =	por $0x0, $0x0;
	[sflag:s7] =	ssyncpa.u1 $0x0;
	s7 =	sor.u32 $0x1, s5  }
.LBB1_4:
0xe: {  	s16 =	sshll.u32 s13, $0x3;
	s17 =	sand.u32 $0x78, s13  }
0xf: {  	s30 =	sand.u32 $0x7E00, s13;
	s12 =	sshll.u32 s12, $0xF;
	s16 =	sand.u32 $0xC00, s16  }
0x10: {  	[tilespmem:s15+$0x810 ss:$0x81] =	vst.msk $0xffff, v2;
	s31 =	sand.u32 $0x7, s13;
	s16 =	sor.u32 s17, s16;
	s17 =	sadd.s32 s3, s30  }
0x11: {  	[tilespmem:s15+$0x1020 ss:$0x81] =	vst.msk $0xffff, v0;
	s13 =	sshll.u32 s31, $0x12;
	s12 =	sadd.s32 s12, s17;
	s16 =	sshrl.u32 s16, $0x3  }
0x12: {  	[tilespmem:s15+$0x0 ss:$0x81] =	vst.msk $0xffff, v1;
	s13 =	sor.u32 $0x400, s13;
	s12 =	sadd.s32 s16, s12  }
0x13: {  	[hbm4b:s12+s13] =	stream.strided.scatter [tilespmem:s14], [sflag:$0x2], $0x2000, s8, s13, $0x20;
	[tilespmem:$0x8080] =	vst v63  }
.LBB1_5:
0x14: {  	s14 =	sadd.s32 $0x1, s9  }
0x15: {  	s12 =	sadd.s32 $0x1000, s10;
	s16 =	smov.u32 s10;
	p2 =	sgt.s32 s14, $0xC7  }
0x16: {  	s16 =	smov.u32 @p2 s12  }
0x17: {  	s14 =	simm.s32 @p2 $0x0;
	p2 =	sgt.s32 s16, $0xFFF  }
0x18: {  	s16 =	smov.u32 @p2 s2;
	p2 =	sne.s32 s11, s7  }
.Ltmp1:
0x19: {  	p1 =	slt.u32 s11, $0x2;
	(pc) =	sbr.rel @!p2 .LBB1_6-.Ltmp1, $4  }
0x1a: {  	s15 =	simm.s32 @!p1 $0x2  }
0x1b: {  	s13 =	smov.u32 s10;
	p0 =	por !p0, !p0;
	_ =	swait.ge @!p1 [sflag:s15], $0x2000  }
0x1c: {  	s12 =	smov.u32 s9;
	[sflag:s15] =	ssyncset.done @!p1 $0x0;
	s9 =	smov.u32 s14  }
0x1d: {  	s11 =	sadd.s32 $0x1, s11;
	[sflag:s15] =	ssyncadd.s32 @!p1 $0xFFFFE000;
	s10 =	smov.u32 s16  }
.LBB1_1:
0x1e: {  	p1 =	sge.u32 s11, s5  }
0x1f: {  	s14 =	sand.u32 @!p1 $0x1FFFFFF, s9  }
0x20: {  	s15 =	smulhi.u32 @!p1 $0x147AE15, s14;
	_ =	sdelay $0x1  }
0x21: {  	s15 =	smul.u32 @!p1 $0xC8, s15  }
0x22: {  	s16 =	sxor.u32 @!p1 $0xFFFFFFFF, s11;
	s17 =	smul.u32 @!p1 $0xC80, s10  }
0x23: {  	s31 =	sadd.s32 $0xFFFFFFFF, s11;
	s16 =	sshll.u32 @!p1 s16, $0xD;
	s14 =	ssub.s32 @!p1 s14, s15  }
0x24: {  	s15 =	sand.u32 @!p1 $0x2000, s16;
	s16 =	sadd.s32 @!p1 s6, s17;
	s14 =	sshll.u32 @!p1 s14, $0x4  }
0x25: {  	s17 =	simm.s32 @!p1 $0x6400;
	s14 =	sadd.s32 @!p1 s14, s16;
	s16 =	simm.s32 @!p1 $0x40  }
0x26: {  	[tilespmem:s15], [sflag:$0x1] =	stream.strided.gather @!p1 [hbm4b:s14+s16], $0x2000, s17, s16, $0x38;
	[tilespmem:$0x8080] =	vst v63  }
0x27: {  	p1 =	sge.u32 s31, s5  }
.Ltmp2:
0x28: {  	_ = 	snop;
	(pc) =	sbr.rel @p1 .LBB1_5-.Ltmp2, $1  }
0x29: {  	_ =	sdelay $0x3  }
0x2a: {  	s14 =	simm.s32 $0x1  }
0x2b: {  	_ =	swait.ge [sflag:s4], $0x2000;
	s14 =	simm.s32 @!p0 $0x0  }
0x2c: {  	[sflag:s4] =	ssyncset.done $0x0;
	s15 =	sshll.u32 s14, $0xD  }
0x2d: {  	[sflag:s4] =	ssyncadd.s32 $0xFFFFE000;
	s18 =	sor.u32 $0x20, s15  }
0x2e: {  	s14 =	smul.u32 $0x8100, s14;
	v3 =	vld [tilespmem:s18+$0x10]  }
0x2f: {  	s30 =	sand.u32 $0x1, s11;
	v2 =	vld [tilespmem:s18+$0xFFFFFFF0]  }
0x30: {  	s15 =	smul.u32 $0x8100, s30;
	s14 =	sshrl.u32 s14, $0x2;
	v0 =	vld [tilespmem:s18+$0x0]  }
0x31: {  	v1 =	vld [tilespmem:s18+$0xFFFFFFE0];
	s16 =	sor.u32 $0x4000, s14  }
0x32: {  	s31 =	sshrl.u32 s15, $0x2;
	s15 =	sadd.s32 $0x0, s16  }
0x33: {  	s17 =	simm.s32 $0x4;
	s18 =	sadd.s32 $0x40, s18;
	s14 =	sor.u32 $0x4000, s31;
	[tilespmem:s15+$0x1830 ss:$0x81] =	vst.msk $0xffff, v3  }
.LBB1_3:
0x34: {  	v3 =	vld [tilespmem:s18+$0x10];
	p1 =	sne.s32 s17, $0x1FC;
	[tilespmem:s15+$0x810 ss:$0x81] =	vst.msk $0xffff, v2;
	s19 =	smov.u32 s17;
	s17 =	sadd.s32 $0x4, s17  }
.Ltmp3:
0x35: {  	v2 =	vld [tilespmem:s18+$0xFFFFFFF0];
	[tilespmem:s15+$0x1020 ss:$0x81] =	vst.msk $0xffff, v0;
	(pc) =	sbr.rel @p1 .LBB1_3-.Ltmp3, $4  }
0x36: {  	v0 =	vld [tilespmem:s18+$0x0];
	[tilespmem:s15+$0x0 ss:$0x81] =	vst.msk $0xffff, v1  }
0x37: {  	s15 =	sshra.s32 s19, $0x2;
	v1 =	vld [tilespmem:s18+$0xFFFFFFE0]  }
0x38: {  	s15 =	sadd.s32 s15, s16  }
0x39: {  	s18 =	sadd.s32 $0x40, s18;
	[tilespmem:s15+$0x1830 ss:$0x81] =	vst.msk $0xffff, v3  }
.Ltmp4:
0x3a: {  	_ = 	snop;
	(pc) =	sbr.rel .LBB1_4-.Ltmp4, $1  }
0x3b: {  	_ =	sdelay $0x3  }
.LBB1_6:
0x3c: {  	_ =	sfence.sel $0x180000  }
0x3d: {  	s2 =	simm.s32 $0x1;
	[bflag:$0x0] =	sbarrier.arrive $0xFFFF  }
0x3e: {  	s31 =	simm.s32 $0x2;
	[sflag:s2] =	ssyncpa.u1 $0x1  }
0x3f: {  	[sflag:s31] =	ssyncpa.u1 $0x1  }
0x40: {  	p0 =	sne.s32 s0, $0x0;
	_ =	strace $0x9000004A  }
0x41: {  	s0 =	sadd.s32 @!p0 $0x100000, s1;
	[bflag:$0x2] =	sbarrier.arrive $0xFFFF  }
0x42: {  	[sflag:s0] =	ssyncadd.tile.s32 @!p0 $0x1;
	_ =	shalt  }
.Lfunc_end1:
_tile_overlayer_lowered:
.L_overlay_start_2:
0x43: {  	(tag) =	ssettag $0x2  }
0x44: {  	s0 =	rddreg [dreg:$0x0];
	s2 =	stileid.u32  }
0x45: {  	s1 =	rddreg [dreg:$0x1];
	p0 =	sne.s32 s2, $0x0  }
0x46: {  	s3 =	rddreg [dreg:$0x2];
	[bflag:$0x3] =	sbarrier.arrive $0xFFFF;
	s2 =	simm.s32 @!p0 $0x1C01  }
0x47: {  	[timem:s3], [sflag:s2] =	dma.local @!p0 [hbm:s0], s1  }
0x48: {  	s0 =	simm.s32 @!p0 $0x1  }
0x49: {  	_ =	swait.ge @!p0 [sflag:s0], s1  }
0x4a: {  	s1 =	ssub.s32 @!p0 $0x0, s1;
	[sflag:s0] =	ssyncset.done @!p0 $0x0  }
0x4b: {  	[sflag:s0] =	ssyncadd.s32 @!p0 s1  }
0x4c: {  	[bflag:$0x3] =	sbarrier.arrive $0xFFFF  }
0x4d: {  	_ =	shalt  }

</sc_bundles>
